<compile_context>
chip_gen: v7x
topology: tpu7x:2x2x1
jax: 0.10.2.dev20260603
libtpu: 0.0.44.dev20260713+nightly
codegen_flags: <defaults>
</compile_context>

<pallas_src>
import functools

import jax
import jax.numpy as jnp
from jax import lax
from jax.experimental import pallas as pl
from jax.experimental.pallas import tpu as pltpu
from jax.experimental.pallas import tpu_sc as plsc

B, L = 4096, 200
E, H, C = 64, 128, 10
NC, NS, LANES = 2, 16, 16
NW = NC * NS
BPW = B // NW
NCHUNK = 2
LCS = (104, 96)
LOFF = (0, 104)
LCMAX = 104
ECHUNKS = E // LANES
NITEMS = 2 * NCHUNK
NSLOT = 4
LOOKAHEAD = 2
NPAIR = BPW // 2


def _pool_body(idx_h, tab_h, out_h, idx_v, rows_v, out_v, sem0, sem1, sem2, sem3):
    wid = lax.axis_index("s") * NC + lax.axis_index("c")
    base = wid * BPW
    sems = (sem0, sem1, sem2, sem3)

    pltpu.sync_copy(idx_h.at[pl.ds(base, BPW)], idx_v)

    def copy_for(p, k):
        db, j = divmod(k, 2)
        return pltpu.make_async_copy(
            tab_h.at[idx_v.at[p * 2 + db, pl.ds(LOFF[j], LCS[j])]],
            rows_v.at[k % NSLOT, pl.ds(0, LCS[j])], sems[k % NSLOT])

    for k in range(LOOKAHEAD):
        copy_for(0, k).start()

    def per_pair(p, carry):
        accs = None
        for k in range(NITEMS):
            db, j = divmod(k, 2)
            ka = k + LOOKAHEAD
            if ka < NITEMS:
                copy_for(p, ka).start()
            else:
                @pl.when(p < NPAIR - 1)
                def _():
                    copy_for(p + 1, ka - NITEMS).start()
            copy_for(p, k).wait()

            if j == 0:
                accs = tuple(
                    jnp.zeros((LANES,), jnp.float32) for _ in range(ECHUNKS))

            @plsc.parallel_loop(0, LCS[j], unroll=4, carry=accs)
            def accs(r, accs, _slot=k % NSLOT):
                return tuple(
                    accs[c] + rows_v[_slot, r, pl.ds(LANES * c, LANES)]
                    for c in range(ECHUNKS)
                )

            if j == 1:
                for c in range(ECHUNKS):
                    out_v[p * 2 + db, pl.ds(c * LANES, LANES)] = (
                        accs[c] * (1.0 / L))
        return carry

    lax.fori_loop(0, NPAIR, per_pair, 0)
    pltpu.sync_copy(out_v, out_h.at[pl.ds(base, BPW)])


_pool = pl.kernel(
    _pool_body,
    out_type=jax.ShapeDtypeStruct((B, E), jnp.float32),
    mesh=plsc.VectorSubcoreMesh(
        core_axis_name="c", subcore_axis_name="s",
        num_cores=NC, num_subcores=NS,
    ),
    scratch_types=[
        pltpu.VMEM((BPW, L), jnp.int32),
        pltpu.VMEM((NSLOT, LCMAX, E), jnp.float32),
        pltpu.VMEM((BPW, E), jnp.float32),
        pltpu.SemaphoreType.DMA,
        pltpu.SemaphoreType.DMA,
        pltpu.SemaphoreType.DMA,
        pltpu.SemaphoreType.DMA,
    ],
    compiler_params=pltpu.CompilerParams(use_tc_tiling_on_sc=False),
)


def _mlp_body(x1_ref, x2_ref, x3_ref, w1_ref, b1_ref, w2_ref, b2_ref, o_ref):
    h = jnp.dot(x1_ref[...], w1_ref[0:E], preferred_element_type=jnp.float32)
    h += jnp.dot(x2_ref[...], w1_ref[E:2 * E], preferred_element_type=jnp.float32)
    h += jnp.dot(x3_ref[...], w1_ref[2 * E:3 * E], preferred_element_type=jnp.float32)
    h = jnp.maximum(h + b1_ref[...], 0.0)
    o_ref[...] = jnp.dot(h, w2_ref[...], preferred_element_type=jnp.float32) + b2_ref[...]


_mlp = pl.pallas_call(
    _mlp_body,
    out_shape=jax.ShapeDtypeStruct((B, C), jnp.float32),
)


@jax.jit
def kernel(bos, bigram, trigram, uni_table, bi_table, tri_table,
           fc1_w, fc1_b, fc2_w, fc2_b):
    x1 = _pool(bos, uni_table)
    x2 = _pool(bigram, bi_table)
    x3 = _pool(trigram, tri_table)
    return _mlp(x1, x2, x3, fc1_w, fc1_b.reshape(1, H), fc2_w, fc2_b.reshape(1, C))

# --- scband reference (transcript-rebuilt; emitter-appended) ---
"""Pipeline reference for scband-fast-text-88794153877884 (READ-ONLY COPY).

The authoritative reference and input builder live on the scoring server;
editing this copy changes nothing except your own understanding.
"""

import jax, jax.numpy as jnp
import numpy as np

B, L = 4096, 200
E, H, C = 64, 128, 10
UNI, BI, TRI = 100000, 1000000, 1000000


def setup_inputs(seed: int = 0) -> dict:
    key = jax.random.key(seed)
    ks = jax.random.split(key, 10)
    bos = jax.random.randint(ks[0], (B, L), 0, UNI, dtype=jnp.int64 if jax.config.jax_enable_x64 else jnp.int32)
    bigram = jax.random.randint(ks[1], (B, L), 0, BI, dtype=bos.dtype)
    trigram = jax.random.randint(ks[2], (B, L), 0, TRI, dtype=bos.dtype)
    uni_table = jax.random.normal(ks[3], (UNI, E), dtype=jnp.float32) * 0.02
    bi_table = jax.random.normal(ks[4], (BI, E), dtype=jnp.float32) * 0.02
    tri_table = jax.random.normal(ks[5], (TRI, E), dtype=jnp.float32) * 0.02
    fc1_w = jax.random.normal(ks[6], (3 * E, H), dtype=jnp.float32) * 0.02
    fc1_b = jnp.zeros((H,), dtype=jnp.float32)
    fc2_w = jax.random.normal(ks[7], (H, C), dtype=jnp.float32) * 0.02
    fc2_b = jnp.zeros((C,), dtype=jnp.float32)
    return {
        "bos": bos, "bigram": bigram, "trigram": trigram,
        "uni_table": uni_table, "bi_table": bi_table, "tri_table": tri_table,
        "fc1_w": fc1_w, "fc1_b": fc1_b, "fc2_w": fc2_w, "fc2_b": fc2_b,
    }


def reference(bos, bigram, trigram, uni_table, bi_table, tri_table, fc1_w, fc1_b, fc2_w, fc2_b):
    x1 = jnp.take(uni_table, bos, axis=0)      # [B, L, E]
    x2 = jnp.take(bi_table, bigram, axis=0)    # [B, L, E]
    x3 = jnp.take(tri_table, trigram, axis=0)  # [B, L, E]
    x = jnp.concatenate((x1, x2, x3), axis=-1)  # [B, L, 3E]
    x = jnp.mean(x, axis=1)                     # [B, 3E]
    # dropout is identity in eval mode
    x = x @ fc1_w + fc1_b
    x = jax.nn.relu(x)
    x = x @ fc2_w + fc2_b
    return x

if __name__ == "__main__":
    import jax
    _d = setup_inputs()
    print(jax.jit(kernel)(*tuple(_d.values())))

</pallas_src>

<mosaic_0001>
#map = affine_map<(d0, d1) -> (0, 0)>
module attributes {stable_mosaic.version = 14 : i64} {
  func.func @_pool_body(%arg0: i32, %arg1: i32, %arg2: memref<4096x200xi32, #tpu.memory_space<hbm>>, %arg3: memref<1000000x64xf32, #tpu.memory_space<hbm>>, %arg4: memref<4096x64xf32, #tpu.memory_space<hbm>>, %arg5: memref<128x200xi32, #tpu.memory_space<vmem>>, %arg6: memref<4x104x64xf32, #tpu.memory_space<vmem>>, %arg7: memref<128x64xf32, #tpu.memory_space<vmem>>, %arg8: memref<!tpu.dma_semaphore, #tpu.memory_space<semaphore_mem>>, %arg9: memref<!tpu.dma_semaphore, #tpu.memory_space<semaphore_mem>>, %arg10: memref<!tpu.dma_semaphore, #tpu.memory_space<semaphore_mem>>, %arg11: memref<!tpu.dma_semaphore, #tpu.memory_space<semaphore_mem>>) attributes {dimension_semantics = [#tpu.dimension_semantics<core_parallel>, #tpu.dimension_semantics<subcore_parallel>], iteration_bounds = array<i64: 2, 16>, scalar_prefetch = 0 : i64, scratch_operands = 7 : i64, tpu.core_type = #tpu.core_type<sc_vector_subcore>, window_params = [{transform_indices = #map}, {transform_indices = #map}, {transform_indices = #map}]} {
    %mul3A = arith.constant 2 : i32
    %mul3A_0 = arith.muli %arg1, %mul3A : i32
    %add3A = arith.addi %mul3A_0, %arg0 : i32
    %mul3A_1 = arith.constant 128 : i32
    %mul3A_2 = arith.muli %add3A, %mul3A_1 : i32
    "tpu.region"() ({
      %run_scoped3A = tpu.sem_alloc : memref<!tpu.dma_semaphore, #tpu.memory_space<semaphore_mem>>
      %dma_start3A_31 = arith.constant 0 : i32
      %dma_start3A_32 = tpu.memref_slice %arg2[%mul3A_2, %dma_start3A_31] : memref<4096x200xi32, #tpu.memory_space<hbm>> -> memref<128x200xi32, #tpu.memory_space<hbm>>
      %dma_start3A_33 = arith.constant 0 : i32
      %dma_start3A_34 = tpu.memref_slice %arg2[%mul3A_2, %dma_start3A_33] : memref<4096x200xi32, #tpu.memory_space<hbm>> -> memref<128x200xi32, #tpu.memory_space<hbm>>
      tpu.enqueue_dma source(%dma_start3A_34 : memref<128x200xi32, #tpu.memory_space<hbm>>) target(%arg5 : memref<128x200xi32, #tpu.memory_space<vmem>>) target_semaphore(%run_scoped3A : memref<!tpu.dma_semaphore, #tpu.memory_space<semaphore_mem>>)
      %dma_wait3A = arith.constant 0 : i32
      %dma_wait3A_35 = tpu.memref_slice %arg2[%mul3A_2, %dma_wait3A] : memref<4096x200xi32, #tpu.memory_space<hbm>> -> memref<128x200xi32, #tpu.memory_space<hbm>>
      %dma_wait3A_36 = arith.constant 0 : i32
      %dma_wait3A_37 = tpu.memref_slice %arg2[%mul3A_2, %dma_wait3A_36] : memref<4096x200xi32, #tpu.memory_space<hbm>> -> memref<128x200xi32, #tpu.memory_space<hbm>>
      tpu.wait_dma2 semaphore(%run_scoped3A : memref<!tpu.dma_semaphore, #tpu.memory_space<semaphore_mem>>) src(%dma_wait3A_37 : memref<128x200xi32, #tpu.memory_space<hbm>>) dst(%arg5 : memref<128x200xi32, #tpu.memory_space<vmem>>)
      tpu.yield
    }) : () -> ()
    %dma_start3A = arith.constant 0 : i32
    %dma_start3A_3 = arith.constant 0 : i32
    %dma_start3A_4 = arith.constant 0 : i32
    %dma_start3A_5 = arith.constant 0 : i32
    %dma_start3A_6 = tpu.memref_slice %arg6[%dma_start3A_3, %dma_start3A_4, %dma_start3A_5] : memref<4x104x64xf32, #tpu.memory_space<vmem>> -> memref<1x104x64xf32, #tpu.memory_space<vmem>>
    %dma_start3A_7 = tpu.memref_squeeze %dma_start3A_6 : memref<1x104x64xf32, #tpu.memory_space<vmem>> -> memref<104x64xf32, #tpu.memory_space<vmem>>
    %dma_start3A_8 = arith.constant 0 : i32
    %dma_start3A_9 = tpu.memref_slice %arg5[%dma_start3A, %dma_start3A_8] : memref<128x200xi32, #tpu.memory_space<vmem>> -> memref<1x104xi32, #tpu.memory_space<vmem>>
    %dma_start3A_10 = tpu.memref_squeeze %dma_start3A_9 : memref<1x104xi32, #tpu.memory_space<vmem>> -> memref<104xi32, #tpu.memory_space<vmem>>
    %dma_start3A_11 = arith.constant 0 : i32
    %dma_start3A_12 = arith.constant 0 : i32
    %dma_start3A_13 = tpu.memref_slice %arg3[%dma_start3A_11, %dma_start3A_12] : memref<1000000x64xf32, #tpu.memory_space<hbm>> -> memref<1000000x64xf32, #tpu.memory_space<hbm>>
    tpu.enqueue_indirect_dma source(%dma_start3A_13 : memref<1000000x64xf32, #tpu.memory_space<hbm>>) target(%dma_start3A_7 : memref<104x64xf32, #tpu.memory_space<vmem>>) offsets(%dma_start3A_10 : memref<104xi32, #tpu.memory_space<vmem>>) semaphore(%arg8 : memref<!tpu.dma_semaphore, #tpu.memory_space<semaphore_mem>>)
    %dma_start3A_14 = arith.constant 0 : i32
    %dma_start3A_15 = arith.constant 1 : i32
    %dma_start3A_16 = arith.constant 0 : i32
    %dma_start3A_17 = arith.constant 0 : i32
    %dma_start3A_18 = tpu.memref_slice %arg6[%dma_start3A_15, %dma_start3A_16, %dma_start3A_17] : memref<4x104x64xf32, #tpu.memory_space<vmem>> -> memref<1x96x64xf32, #tpu.memory_space<vmem>>
    %dma_start3A_19 = tpu.memref_squeeze %dma_start3A_18 : memref<1x96x64xf32, #tpu.memory_space<vmem>> -> memref<96x64xf32, #tpu.memory_space<vmem>>
    %dma_start3A_20 = arith.constant 104 : i32
    %dma_start3A_21 = tpu.memref_slice %arg5[%dma_start3A_14, %dma_start3A_20] : memref<128x200xi32, #tpu.memory_space<vmem>> -> memref<1x96xi32, #tpu.memory_space<vmem>>
    %dma_start3A_22 = tpu.memref_squeeze %dma_start3A_21 : memref<1x96xi32, #tpu.memory_space<vmem>> -> memref<96xi32, #tpu.memory_space<vmem>>
    %dma_start3A_23 = arith.constant 0 : i32
    %dma_start3A_24 = arith.constant 0 : i32
    %dma_start3A_25 = tpu.memref_slice %arg3[%dma_start3A_23, %dma_start3A_24] : memref<1000000x64xf32, #tpu.memory_space<hbm>> -> memref<1000000x64xf32, #tpu.memory_space<hbm>>
    tpu.enqueue_indirect_dma source(%dma_start3A_25 : memref<1000000x64xf32, #tpu.memory_space<hbm>>) target(%dma_start3A_19 : memref<96x64xf32, #tpu.memory_space<vmem>>) offsets(%dma_start3A_22 : memref<96xi32, #tpu.memory_space<vmem>>) semaphore(%arg9 : memref<!tpu.dma_semaphore, #tpu.memory_space<semaphore_mem>>)
    %scan3A = arith.constant 0 : i32
    %scan3A_26 = arith.constant 0 : i32
    %scan3A_27 = arith.constant 64 : i32
    %scan3A_28 = arith.addi %scan3A_26, %scan3A_27 : i32
    %scan3A_29 = arith.constant 1 : i32
    scf.for %scan3A_31 = %scan3A_26 to %scan3A_28 step %scan3A_29  : i32 {
      %mul3A_32 = arith.constant 2 : i32
      %mul3A_33 = arith.muli %scan3A_31, %mul3A_32 : i32
      %add3A_34 = arith.constant 1 : i32
      %add3A_35 = arith.addi %mul3A_33, %add3A_34 : i32
      %dma_start3A_36 = arith.constant 2 : i32
      %dma_start3A_37 = arith.constant 0 : i32
      %dma_start3A_38 = arith.constant 0 : i32
      %dma_start3A_39 = tpu.memref_slice %arg6[%dma_start3A_36, %dma_start3A_37, %dma_start3A_38] : memref<4x104x64xf32, #tpu.memory_space<vmem>> -> memref<1x104x64xf32, #tpu.memory_space<vmem>>
      %dma_start3A_40 = tpu.memref_squeeze %dma_start3A_39 : memref<1x104x64xf32, #tpu.memory_space<vmem>> -> memref<104x64xf32, #tpu.memory_space<vmem>>
      %dma_start3A_41 = arith.constant 0 : i32
      %dma_start3A_42 = tpu.memref_slice %arg5[%add3A_35, %dma_start3A_41] : memref<128x200xi32, #tpu.memory_space<vmem>> -> memref<1x104xi32, #tpu.memory_space<vmem>>
      %dma_start3A_43 = tpu.memref_squeeze %dma_start3A_42 : memref<1x104xi32, #tpu.memory_space<vmem>> -> memref<104xi32, #tpu.memory_space<vmem>>
      %dma_start3A_44 = arith.constant 0 : i32
      %dma_start3A_45 = arith.constant 0 : i32
      %dma_start3A_46 = tpu.memref_slice %arg3[%dma_start3A_44, %dma_start3A_45] : memref<1000000x64xf32, #tpu.memory_space<hbm>> -> memref<1000000x64xf32, #tpu.memory_space<hbm>>
      tpu.enqueue_indirect_dma source(%dma_start3A_46 : memref<1000000x64xf32, #tpu.memory_space<hbm>>) target(%dma_start3A_40 : memref<104x64xf32, #tpu.memory_space<vmem>>) offsets(%dma_start3A_43 : memref<104xi32, #tpu.memory_space<vmem>>) semaphore(%arg10 : memref<!tpu.dma_semaphore, #tpu.memory_space<semaphore_mem>>)
      %mul3A_47 = arith.constant 2 : i32
      %mul3A_48 = arith.muli %scan3A_31, %mul3A_47 : i32
      %add3A_49 = arith.constant 0 : i32
      %add3A_50 = arith.addi %mul3A_48, %add3A_49 : i32
      %dma_wait3A = arith.constant 0 : i32
      %dma_wait3A_51 = arith.constant 0 : i32
      %dma_wait3A_52 = arith.constant 0 : i32
      %dma_wait3A_53 = tpu.memref_slice %arg6[%dma_wait3A, %dma_wait3A_51, %dma_wait3A_52] : memref<4x104x64xf32, #tpu.memory_space<vmem>> -> memref<1x104x64xf32, #tpu.memory_space<vmem>>
      %dma_wait3A_54 = tpu.memref_squeeze %dma_wait3A_53 : memref<1x104x64xf32, #tpu.memory_space<vmem>> -> memref<104x64xf32, #tpu.memory_space<vmem>>
      %dma_wait3A_55 = arith.constant 0 : i32
      %dma_wait3A_56 = tpu.memref_slice %arg5[%add3A_50, %dma_wait3A_55] : memref<128x200xi32, #tpu.memory_space<vmem>> -> memref<1x104xi32, #tpu.memory_space<vmem>>
      %dma_wait3A_57 = tpu.memref_squeeze %dma_wait3A_56 : memref<1x104xi32, #tpu.memory_space<vmem>> -> memref<104xi32, #tpu.memory_space<vmem>>
      %dma_wait3A_58 = arith.constant 0 : i32
      %dma_wait3A_59 = arith.constant 0 : i32
      %dma_wait3A_60 = tpu.memref_slice %arg3[%dma_wait3A_58, %dma_wait3A_59] : memref<1000000x64xf32, #tpu.memory_space<hbm>> -> memref<1000000x64xf32, #tpu.memory_space<hbm>>
      tpu.wait_indirect_dma semaphore(%arg8 : memref<!tpu.dma_semaphore, #tpu.memory_space<semaphore_mem>>) src(%dma_wait3A_60 : memref<1000000x64xf32, #tpu.memory_space<hbm>>) dst(%dma_wait3A_54 : memref<104x64xf32, #tpu.memory_space<vmem>>)
      %broadcast_in_dim3A = arith.constant 0.000000e+00 : f32
      %broadcast_in_dim3A_61 = vector.broadcast %broadcast_in_dim3A : f32 to vector<16xf32>
      %broadcast_in_dim3A_62 = arith.constant 0.000000e+00 : f32
      %broadcast_in_dim3A_63 = vector.broadcast %broadcast_in_dim3A_62 : f32 to vector<16xf32>
      %broadcast_in_dim3A_64 = arith.constant 0.000000e+00 : f32
      %broadcast_in_dim3A_65 = vector.broadcast %broadcast_in_dim3A_64 : f32 to vector<16xf32>
      %broadcast_in_dim3A_66 = arith.constant 0.000000e+00 : f32
      %broadcast_in_dim3A_67 = vector.broadcast %broadcast_in_dim3A_66 : f32 to vector<16xf32>
      %parallel_loop3A = arith.constant 0 : i32
      %parallel_loop3A_68 = arith.constant 104 : i32
      %parallel_loop3A_69 = arith.constant 1 : i32
      %parallel_loop3A_70:4 = scf.for %parallel_loop3A_253 = %parallel_loop3A to %parallel_loop3A_68 step %parallel_loop3A_69 iter_args(%parallel_loop3A_254 = %broadcast_in_dim3A_61, %parallel_loop3A_255 = %broadcast_in_dim3A_63, %parallel_loop3A_256 = %broadcast_in_dim3A_65, %parallel_loop3A_257 = %broadcast_in_dim3A_67) -> (vector<16xf32>, vector<16xf32>, vector<16xf32>, vector<16xf32>)  : i32 {
        %parallel_loop3A_258 = arith.constant 0 : i32
        %parallel_loop3A_259 = arith.index_cast %parallel_loop3A_258 : i32 to index
        %parallel_loop3A_260 = arith.index_cast %parallel_loop3A_253 : i32 to index
        %parallel_loop3A_261 = arith.constant 0 : index
        %parallel_loop3A_262 = tpu.vector_load %arg6[%parallel_loop3A_259, %parallel_loop3A_260, %parallel_loop3A_261] {strides = array<i32>} : memref<4x104x64xf32, #tpu.memory_space<vmem>>, vector<1x1x16xf32>,
        %parallel_loop3A_263 = vector.shape_cast %parallel_loop3A_262 : vector<1x1x16xf32> to vector<16xf32>
        %parallel_loop3A_264 = arith.addf %parallel_loop3A_254, %parallel_loop3A_263 : vector<16xf32>
        %parallel_loop3A_265 = arith.constant 0 : i32
        %parallel_loop3A_266 = arith.index_cast %parallel_loop3A_265 : i32 to index
        %parallel_loop3A_267 = arith.index_cast %parallel_loop3A_253 : i32 to index
        %parallel_loop3A_268 = arith.constant 16 : index
        %parallel_loop3A_269 = tpu.vector_load %arg6[%parallel_loop3A_266, %parallel_loop3A_267, %parallel_loop3A_268] {strides = array<i32>} : memref<4x104x64xf32, #tpu.memory_space<vmem>>, vector<1x1x16xf32>,
        %parallel_loop3A_270 = vector.shape_cast %parallel_loop3A_269 : vector<1x1x16xf32> to vector<16xf32>
        %parallel_loop3A_271 = arith.addf %parallel_loop3A_255, %parallel_loop3A_270 : vector<16xf32>
        %parallel_loop3A_272 = arith.constant 0 : i32
        %parallel_loop3A_273 = arith.index_cast %parallel_loop3A_272 : i32 to index
        %parallel_loop3A_274 = arith.index_cast %parallel_loop3A_253 : i32 to index
        %parallel_loop3A_275 = arith.constant 32 : index
        %parallel_loop3A_276 = tpu.vector_load %arg6[%parallel_loop3A_273, %parallel_loop3A_274, %parallel_loop3A_275] {strides = array<i32>} : memref<4x104x64xf32, #tpu.memory_space<vmem>>, vector<1x1x16xf32>,
        %parallel_loop3A_277 = vector.shape_cast %parallel_loop3A_276 : vector<1x1x16xf32> to vector<16xf32>
        %parallel_loop3A_278 = arith.addf %parallel_loop3A_256, %parallel_loop3A_277 : vector<16xf32>
        %parallel_loop3A_279 = arith.constant 0 : i32
        %parallel_loop3A_280 = arith.index_cast %parallel_loop3A_279 : i32 to index
        %parallel_loop3A_281 = arith.index_cast %parallel_loop3A_253 : i32 to index
        %parallel_loop3A_282 = arith.constant 48 : index
        %parallel_loop3A_283 = tpu.vector_load %arg6[%parallel_loop3A_280, %parallel_loop3A_281, %parallel_loop3A_282] {strides = array<i32>} : memref<4x104x64xf32, #tpu.memory_space<vmem>>, vector<1x1x16xf32>,
        %parallel_loop3A_284 = vector.shape_cast %parallel_loop3A_283 : vector<1x1x16xf32> to vector<16xf32>
        %parallel_loop3A_285 = arith.addf %parallel_loop3A_257, %parallel_loop3A_284 : vector<16xf32>
        scf.yield %parallel_loop3A_264, %parallel_loop3A_271, %parallel_loop3A_278, %parallel_loop3A_285 : vector<16xf32>, vector<16xf32>, vector<16xf32>, vector<16xf32>
      } {sc.loop_unroll_factor = 4 : i64, sc.parallel_access}
      %mul3A_71 = arith.constant 2 : i32
      %mul3A_72 = arith.muli %scan3A_31, %mul3A_71 : i32
      %add3A_73 = arith.constant 1 : i32
      %add3A_74 = arith.addi %mul3A_72, %add3A_73 : i32
      %dma_start3A_75 = arith.constant 3 : i32
      %dma_start3A_76 = arith.constant 0 : i32
      %dma_start3A_77 = arith.constant 0 : i32
      %dma_start3A_78 = tpu.memref_slice %arg6[%dma_start3A_75, %dma_start3A_76, %dma_start3A_77] : memref<4x104x64xf32, #tpu.memory_space<vmem>> -> memref<1x96x64xf32, #tpu.memory_space<vmem>>
      %dma_start3A_79 = tpu.memref_squeeze %dma_start3A_78 : memref<1x96x64xf32, #tpu.memory_space<vmem>> -> memref<96x64xf32, #tpu.memory_space<vmem>>
      %dma_start3A_80 = arith.constant 104 : i32
      %dma_start3A_81 = tpu.memref_slice %arg5[%add3A_74, %dma_start3A_80] : memref<128x200xi32, #tpu.memory_space<vmem>> -> memref<1x96xi32, #tpu.memory_space<vmem>>
      %dma_start3A_82 = tpu.memref_squeeze %dma_start3A_81 : memref<1x96xi32, #tpu.memory_space<vmem>> -> memref<96xi32, #tpu.memory_space<vmem>>
      %dma_start3A_83 = arith.constant 0 : i32
      %dma_start3A_84 = arith.constant 0 : i32
      %dma_start3A_85 = tpu.memref_slice %arg3[%dma_start3A_83, %dma_start3A_84] : memref<1000000x64xf32, #tpu.memory_space<hbm>> -> memref<1000000x64xf32, #tpu.memory_space<hbm>>
      tpu.enqueue_indirect_dma source(%dma_start3A_85 : memref<1000000x64xf32, #tpu.memory_space<hbm>>) target(%dma_start3A_79 : memref<96x64xf32, #tpu.memory_space<vmem>>) offsets(%dma_start3A_82 : memref<96xi32, #tpu.memory_space<vmem>>) semaphore(%arg11 : memref<!tpu.dma_semaphore, #tpu.memory_space<semaphore_mem>>)
      %mul3A_86 = arith.constant 2 : i32
      %mul3A_87 = arith.muli %scan3A_31, %mul3A_86 : i32
      %add3A_88 = arith.constant 0 : i32
      %add3A_89 = arith.addi %mul3A_87, %add3A_88 : i32
      %dma_wait3A_90 = arith.constant 1 : i32
      %dma_wait3A_91 = arith.constant 0 : i32
      %dma_wait3A_92 = arith.constant 0 : i32
      %dma_wait3A_93 = tpu.memref_slice %arg6[%dma_wait3A_90, %dma_wait3A_91, %dma_wait3A_92] : memref<4x104x64xf32, #tpu.memory_space<vmem>> -> memref<1x96x64xf32, #tpu.memory_space<vmem>>
      %dma_wait3A_94 = tpu.memref_squeeze %dma_wait3A_93 : memref<1x96x64xf32, #tpu.memory_space<vmem>> -> memref<96x64xf32, #tpu.memory_space<vmem>>
      %dma_wait3A_95 = arith.constant 104 : i32
      %dma_wait3A_96 = tpu.memref_slice %arg5[%add3A_89, %dma_wait3A_95] : memref<128x200xi32, #tpu.memory_space<vmem>> -> memref<1x96xi32, #tpu.memory_space<vmem>>
      %dma_wait3A_97 = tpu.memref_squeeze %dma_wait3A_96 : memref<1x96xi32, #tpu.memory_space<vmem>> -> memref<96xi32, #tpu.memory_space<vmem>>
      %dma_wait3A_98 = arith.constant 0 : i32
      %dma_wait3A_99 = arith.constant 0 : i32
      %dma_wait3A_100 = tpu.memref_slice %arg3[%dma_wait3A_98, %dma_wait3A_99] : memref<1000000x64xf32, #tpu.memory_space<hbm>> -> memref<1000000x64xf32, #tpu.memory_space<hbm>>
      tpu.wait_indirect_dma semaphore(%arg9 : memref<!tpu.dma_semaphore, #tpu.memory_space<semaphore_mem>>) src(%dma_wait3A_100 : memref<1000000x64xf32, #tpu.memory_space<hbm>>) dst(%dma_wait3A_94 : memref<96x64xf32, #tpu.memory_space<vmem>>)
      %parallel_loop3A_101 = arith.constant 0 : i32
      %parallel_loop3A_102 = arith.constant 96 : i32
      %parallel_loop3A_103 = arith.constant 1 : i32
      %parallel_loop3A_104:4 = scf.for %parallel_loop3A_253 = %parallel_loop3A_101 to %parallel_loop3A_102 step %parallel_loop3A_103 iter_args(%parallel_loop3A_254 = %parallel_loop3A_70#0, %parallel_loop3A_255 = %parallel_loop3A_70#1, %parallel_loop3A_256 = %parallel_loop3A_70#2, %parallel_loop3A_257 = %parallel_loop3A_70#3) -> (vector<16xf32>, vector<16xf32>, vector<16xf32>, vector<16xf32>)  : i32 {
        %parallel_loop3A_258 = arith.constant 1 : i32
        %parallel_loop3A_259 = arith.index_cast %parallel_loop3A_258 : i32 to index
        %parallel_loop3A_260 = arith.index_cast %parallel_loop3A_253 : i32 to index
        %parallel_loop3A_261 = arith.constant 0 : index
        %parallel_loop3A_262 = tpu.vector_load %arg6[%parallel_loop3A_259, %parallel_loop3A_260, %parallel_loop3A_261] {strides = array<i32>} : memref<4x104x64xf32, #tpu.memory_space<vmem>>, vector<1x1x16xf32>,
        %parallel_loop3A_263 = vector.shape_cast %parallel_loop3A_262 : vector<1x1x16xf32> to vector<16xf32>
        %parallel_loop3A_264 = arith.addf %parallel_loop3A_254, %parallel_loop3A_263 : vector<16xf32>
        %parallel_loop3A_265 = arith.constant 1 : i32
        %parallel_loop3A_266 = arith.index_cast %parallel_loop3A_265 : i32 to index
        %parallel_loop3A_267 = arith.index_cast %parallel_loop3A_253 : i32 to index
        %parallel_loop3A_268 = arith.constant 16 : index
        %parallel_loop3A_269 = tpu.vector_load %arg6[%parallel_loop3A_266, %parallel_loop3A_267, %parallel_loop3A_268] {strides = array<i32>} : memref<4x104x64xf32, #tpu.memory_space<vmem>>, vector<1x1x16xf32>,
        %parallel_loop3A_270 = vector.shape_cast %parallel_loop3A_269 : vector<1x1x16xf32> to vector<16xf32>
        %parallel_loop3A_271 = arith.addf %parallel_loop3A_255, %parallel_loop3A_270 : vector<16xf32>
        %parallel_loop3A_272 = arith.constant 1 : i32
        %parallel_loop3A_273 = arith.index_cast %parallel_loop3A_272 : i32 to index
        %parallel_loop3A_274 = arith.index_cast %parallel_loop3A_253 : i32 to index
        %parallel_loop3A_275 = arith.constant 32 : index
        %parallel_loop3A_276 = tpu.vector_load %arg6[%parallel_loop3A_273, %parallel_loop3A_274, %parallel_loop3A_275] {strides = array<i32>} : memref<4x104x64xf32, #tpu.memory_space<vmem>>, vector<1x1x16xf32>,
        %parallel_loop3A_277 = vector.shape_cast %parallel_loop3A_276 : vector<1x1x16xf32> to vector<16xf32>
        %parallel_loop3A_278 = arith.addf %parallel_loop3A_256, %parallel_loop3A_277 : vector<16xf32>
        %parallel_loop3A_279 = arith.constant 1 : i32
        %parallel_loop3A_280 = arith.index_cast %parallel_loop3A_279 : i32 to index
        %parallel_loop3A_281 = arith.index_cast %parallel_loop3A_253 : i32 to index
        %parallel_loop3A_282 = arith.constant 48 : index
        %parallel_loop3A_283 = tpu.vector_load %arg6[%parallel_loop3A_280, %parallel_loop3A_281, %parallel_loop3A_282] {strides = array<i32>} : memref<4x104x64xf32, #tpu.memory_space<vmem>>, vector<1x1x16xf32>,
        %parallel_loop3A_284 = vector.shape_cast %parallel_loop3A_283 : vector<1x1x16xf32> to vector<16xf32>
        %parallel_loop3A_285 = arith.addf %parallel_loop3A_257, %parallel_loop3A_284 : vector<16xf32>
        scf.yield %parallel_loop3A_264, %parallel_loop3A_271, %parallel_loop3A_278, %parallel_loop3A_285 : vector<16xf32>, vector<16xf32>, vector<16xf32>, vector<16xf32>
      } {sc.loop_unroll_factor = 4 : i64, sc.parallel_access}
      %mul3A_105 = arith.constant 5.000000e-03 : f32
      %mul3A_106 = vector.broadcast %mul3A_105 : f32 to vector<16xf32>
      %mul3A_107 = arith.mulf %parallel_loop3A_104#0, %mul3A_106 : vector<16xf32>
      %mul3A_108 = arith.constant 2 : i32
      %mul3A_109 = arith.muli %scan3A_31, %mul3A_108 : i32
      %add3A_110 = arith.constant 0 : i32
      %add3A_111 = arith.addi %mul3A_109, %add3A_110 : i32
      %swap3A = arith.index_cast %add3A_111 : i32 to index
      %swap3A_112 = arith.constant 0 : index
      %swap3A_113 = tpu.vector_load %arg7[%swap3A, %swap3A_112] {strides = array<i32>} : memref<128x64xf32, #tpu.memory_space<vmem>>, vector<1x16xf32>,
      %swap3A_114 = vector.shape_cast %swap3A_113 : vector<1x16xf32> to vector<16xf32>
      %swap3A_115 = vector.shape_cast %mul3A_107 : vector<16xf32> to vector<1x16xf32>
      tpu.vector_store %arg7[%swap3A, %swap3A_112], %swap3A_115 {strides = array<i32>} : memref<128x64xf32, #tpu.memory_space<vmem>>, vector<1x16xf32>,
      %mul3A_116 = arith.constant 5.000000e-03 : f32
      %mul3A_117 = vector.broadcast %mul3A_116 : f32 to vector<16xf32>
      %mul3A_118 = arith.mulf %parallel_loop3A_104#1, %mul3A_117 : vector<16xf32>
      %mul3A_119 = arith.constant 2 : i32
      %mul3A_120 = arith.muli %scan3A_31, %mul3A_119 : i32
      %add3A_121 = arith.constant 0 : i32
      %add3A_122 = arith.addi %mul3A_120, %add3A_121 : i32
      %swap3A_123 = arith.index_cast %add3A_122 : i32 to index
      %swap3A_124 = arith.constant 16 : index
      %swap3A_125 = tpu.vector_load %arg7[%swap3A_123, %swap3A_124] {strides = array<i32>} : memref<128x64xf32, #tpu.memory_space<vmem>>, vector<1x16xf32>,
      %swap3A_126 = vector.shape_cast %swap3A_125 : vector<1x16xf32> to vector<16xf32>
      %swap3A_127 = vector.shape_cast %mul3A_118 : vector<16xf32> to vector<1x16xf32>
      tpu.vector_store %arg7[%swap3A_123, %swap3A_124], %swap3A_127 {strides = array<i32>} : memref<128x64xf32, #tpu.memory_space<vmem>>, vector<1x16xf32>,
      %mul3A_128 = arith.constant 5.000000e-03 : f32
      %mul3A_129 = vector.broadcast %mul3A_128 : f32 to vector<16xf32>
      %mul3A_130 = arith.mulf %parallel_loop3A_104#2, %mul3A_129 : vector<16xf32>
      %mul3A_131 = arith.constant 2 : i32
      %mul3A_132 = arith.muli %scan3A_31, %mul3A_131 : i32
      %add3A_133 = arith.constant 0 : i32
      %add3A_134 = arith.addi %mul3A_132, %add3A_133 : i32
      %swap3A_135 = arith.index_cast %add3A_134 : i32 to index
      %swap3A_136 = arith.constant 32 : index
      %swap3A_137 = tpu.vector_load %arg7[%swap3A_135, %swap3A_136] {strides = array<i32>} : memref<128x64xf32, #tpu.memory_space<vmem>>, vector<1x16xf32>,
      %swap3A_138 = vector.shape_cast %swap3A_137 : vector<1x16xf32> to vector<16xf32>
      %swap3A_139 = vector.shape_cast %mul3A_130 : vector<16xf32> to vector<1x16xf32>
      tpu.vector_store %arg7[%swap3A_135, %swap3A_136], %swap3A_139 {strides = array<i32>} : memref<128x64xf32, #tpu.memory_space<vmem>>, vector<1x16xf32>,
      %mul3A_140 = arith.constant 5.000000e-03 : f32
      %mul3A_141 = vector.broadcast %mul3A_140 : f32 to vector<16xf32>
      %mul3A_142 = arith.mulf %parallel_loop3A_104#3, %mul3A_141 : vector<16xf32>
      %mul3A_143 = arith.constant 2 : i32
      %mul3A_144 = arith.muli %scan3A_31, %mul3A_143 : i32
      %add3A_145 = arith.constant 0 : i32
      %add3A_146 = arith.addi %mul3A_144, %add3A_145 : i32
      %swap3A_147 = arith.index_cast %add3A_146 : i32 to index
      %swap3A_148 = arith.constant 48 : index
      %swap3A_149 = tpu.vector_load %arg7[%swap3A_147, %swap3A_148] {strides = array<i32>} : memref<128x64xf32, #tpu.memory_space<vmem>>, vector<1x16xf32>,
      %swap3A_150 = vector.shape_cast %swap3A_149 : vector<1x16xf32> to vector<16xf32>
      %swap3A_151 = vector.shape_cast %mul3A_142 : vector<16xf32> to vector<1x16xf32>
      tpu.vector_store %arg7[%swap3A_147, %swap3A_148], %swap3A_151 {strides = array<i32>} : memref<128x64xf32, #tpu.memory_space<vmem>>, vector<1x16xf32>,
      %lt3A = arith.constant 63 : i32
      %lt3A_152 = arith.cmpi slt, %scan3A_31, %lt3A : i32
      %convert_element_type3A = arith.extui %lt3A_152 : i1 to i32
      %cond3A = arith.constant 0 : i32
      %cond3A_153 = arith.cmpi ne, %convert_element_type3A, %cond3A : i32
      scf.if %cond3A_153 {
        %add3A_253 = arith.constant 1 : i32
        %add3A_254 = arith.addi %scan3A_31, %add3A_253 : i32
        %mul3A_255 = arith.constant 2 : i32
        %mul3A_256 = arith.muli %add3A_254, %mul3A_255 : i32
        %add3A_257 = arith.constant 0 : i32
        %add3A_258 = arith.addi %mul3A_256, %add3A_257 : i32
        %dma_start3A_259 = arith.constant 0 : i32
        %dma_start3A_260 = arith.constant 0 : i32
        %dma_start3A_261 = arith.constant 0 : i32
        %dma_start3A_262 = tpu.memref_slice %arg6[%dma_start3A_259, %dma_start3A_260, %dma_start3A_261] : memref<4x104x64xf32, #tpu.memory_space<vmem>> -> memref<1x104x64xf32, #tpu.memory_space<vmem>>
        %dma_start3A_263 = tpu.memref_squeeze %dma_start3A_262 : memref<1x104x64xf32, #tpu.memory_space<vmem>> -> memref<104x64xf32, #tpu.memory_space<vmem>>
        %dma_start3A_264 = arith.constant 0 : i32
        %dma_start3A_265 = tpu.memref_slice %arg5[%add3A_258, %dma_start3A_264] : memref<128x200xi32, #tpu.memory_space<vmem>> -> memref<1x104xi32, #tpu.memory_space<vmem>>
        %dma_start3A_266 = tpu.memref_squeeze %dma_start3A_265 : memref<1x104xi32, #tpu.memory_space<vmem>> -> memref<104xi32, #tpu.memory_space<vmem>>
        %dma_start3A_267 = arith.constant 0 : i32
        %dma_start3A_268 = arith.constant 0 : i32
        %dma_start3A_269 = tpu.memref_slice %arg3[%dma_start3A_267, %dma_start3A_268] : memref<1000000x64xf32, #tpu.memory_space<hbm>> -> memref<1000000x64xf32, #tpu.memory_space<hbm>>
        tpu.enqueue_indirect_dma source(%dma_start3A_269 : memref<1000000x64xf32, #tpu.memory_space<hbm>>) target(%dma_start3A_263 : memref<104x64xf32, #tpu.memory_space<vmem>>) offsets(%dma_start3A_266 : memref<104xi32, #tpu.memory_space<vmem>>) semaphore(%arg8 : memref<!tpu.dma_semaphore, #tpu.memory_space<semaphore_mem>>)
      } else {
      }
      %mul3A_154 = arith.constant 2 : i32
      %mul3A_155 = arith.muli %scan3A_31, %mul3A_154 : i32
      %add3A_156 = arith.constant 1 : i32
      %add3A_157 = arith.addi %mul3A_155, %add3A_156 : i32
      %dma_wait3A_158 = arith.constant 2 : i32
      %dma_wait3A_159 = arith.constant 0 : i32
      %dma_wait3A_160 = arith.constant 0 : i32
      %dma_wait3A_161 = tpu.memref_slice %arg6[%dma_wait3A_158, %dma_wait3A_159, %dma_wait3A_160] : memref<4x104x64xf32, #tpu.memory_space<vmem>> -> memref<1x104x64xf32, #tpu.memory_space<vmem>>
      %dma_wait3A_162 = tpu.memref_squeeze %dma_wait3A_161 : memref<1x104x64xf32, #tpu.memory_space<vmem>> -> memref<104x64xf32, #tpu.memory_space<vmem>>
      %dma_wait3A_163 = arith.constant 0 : i32
      %dma_wait3A_164 = tpu.memref_slice %arg5[%add3A_157, %dma_wait3A_163] : memref<128x200xi32, #tpu.memory_space<vmem>> -> memref<1x104xi32, #tpu.memory_space<vmem>>
      %dma_wait3A_165 = tpu.memref_squeeze %dma_wait3A_164 : memref<1x104xi32, #tpu.memory_space<vmem>> -> memref<104xi32, #tpu.memory_space<vmem>>
      %dma_wait3A_166 = arith.constant 0 : i32
      %dma_wait3A_167 = arith.constant 0 : i32
      %dma_wait3A_168 = tpu.memref_slice %arg3[%dma_wait3A_166, %dma_wait3A_167] : memref<1000000x64xf32, #tpu.memory_space<hbm>> -> memref<1000000x64xf32, #tpu.memory_space<hbm>>
      tpu.wait_indirect_dma semaphore(%arg10 : memref<!tpu.dma_semaphore, #tpu.memory_space<semaphore_mem>>) src(%dma_wait3A_168 : memref<1000000x64xf32, #tpu.memory_space<hbm>>) dst(%dma_wait3A_162 : memref<104x64xf32, #tpu.memory_space<vmem>>)
      %broadcast_in_dim3A_169 = arith.constant 0.000000e+00 : f32
      %broadcast_in_dim3A_170 = vector.broadcast %broadcast_in_dim3A_169 : f32 to vector<16xf32>
      %broadcast_in_dim3A_171 = arith.constant 0.000000e+00 : f32
      %broadcast_in_dim3A_172 = vector.broadcast %broadcast_in_dim3A_171 : f32 to vector<16xf32>
      %broadcast_in_dim3A_173 = arith.constant 0.000000e+00 : f32
      %broadcast_in_dim3A_174 = vector.broadcast %broadcast_in_dim3A_173 : f32 to vector<16xf32>
      %broadcast_in_dim3A_175 = arith.constant 0.000000e+00 : f32
      %broadcast_in_dim3A_176 = vector.broadcast %broadcast_in_dim3A_175 : f32 to vector<16xf32>
      %parallel_loop3A_177 = arith.constant 0 : i32
      %parallel_loop3A_178 = arith.constant 104 : i32
      %parallel_loop3A_179 = arith.constant 1 : i32
      %parallel_loop3A_180:4 = scf.for %parallel_loop3A_253 = %parallel_loop3A_177 to %parallel_loop3A_178 step %parallel_loop3A_179 iter_args(%parallel_loop3A_254 = %broadcast_in_dim3A_170, %parallel_loop3A_255 = %broadcast_in_dim3A_172, %parallel_loop3A_256 = %broadcast_in_dim3A_174, %parallel_loop3A_257 = %broadcast_in_dim3A_176) -> (vector<16xf32>, vector<16xf32>, vector<16xf32>, vector<16xf32>)  : i32 {
        %parallel_loop3A_258 = arith.constant 2 : i32
        %parallel_loop3A_259 = arith.index_cast %parallel_loop3A_258 : i32 to index
        %parallel_loop3A_260 = arith.index_cast %parallel_loop3A_253 : i32 to index
        %parallel_loop3A_261 = arith.constant 0 : index
        %parallel_loop3A_262 = tpu.vector_load %arg6[%parallel_loop3A_259, %parallel_loop3A_260, %parallel_loop3A_261] {strides = array<i32>} : memref<4x104x64xf32, #tpu.memory_space<vmem>>, vector<1x1x16xf32>,
        %parallel_loop3A_263 = vector.shape_cast %parallel_loop3A_262 : vector<1x1x16xf32> to vector<16xf32>
        %parallel_loop3A_264 = arith.addf %parallel_loop3A_254, %parallel_loop3A_263 : vector<16xf32>
        %parallel_loop3A_265 = arith.constant 2 : i32
        %parallel_loop3A_266 = arith.index_cast %parallel_loop3A_265 : i32 to index
        %parallel_loop3A_267 = arith.index_cast %parallel_loop3A_253 : i32 to index
        %parallel_loop3A_268 = arith.constant 16 : index
        %parallel_loop3A_269 = tpu.vector_load %arg6[%parallel_loop3A_266, %parallel_loop3A_267, %parallel_loop3A_268] {strides = array<i32>} : memref<4x104x64xf32, #tpu.memory_space<vmem>>, vector<1x1x16xf32>,
        %parallel_loop3A_270 = vector.shape_cast %parallel_loop3A_269 : vector<1x1x16xf32> to vector<16xf32>
        %parallel_loop3A_271 = arith.addf %parallel_loop3A_255, %parallel_loop3A_270 : vector<16xf32>
        %parallel_loop3A_272 = arith.constant 2 : i32
        %parallel_loop3A_273 = arith.index_cast %parallel_loop3A_272 : i32 to index
        %parallel_loop3A_274 = arith.index_cast %parallel_loop3A_253 : i32 to index
        %parallel_loop3A_275 = arith.constant 32 : index
        %parallel_loop3A_276 = tpu.vector_load %arg6[%parallel_loop3A_273, %parallel_loop3A_274, %parallel_loop3A_275] {strides = array<i32>} : memref<4x104x64xf32, #tpu.memory_space<vmem>>, vector<1x1x16xf32>,
        %parallel_loop3A_277 = vector.shape_cast %parallel_loop3A_276 : vector<1x1x16xf32> to vector<16xf32>
        %parallel_loop3A_278 = arith.addf %parallel_loop3A_256, %parallel_loop3A_277 : vector<16xf32>
        %parallel_loop3A_279 = arith.constant 2 : i32
        %parallel_loop3A_280 = arith.index_cast %parallel_loop3A_279 : i32 to index
        %parallel_loop3A_281 = arith.index_cast %parallel_loop3A_253 : i32 to index
        %parallel_loop3A_282 = arith.constant 48 : index
        %parallel_loop3A_283 = tpu.vector_load %arg6[%parallel_loop3A_280, %parallel_loop3A_281, %parallel_loop3A_282] {strides = array<i32>} : memref<4x104x64xf32, #tpu.memory_space<vmem>>, vector<1x1x16xf32>,
        %parallel_loop3A_284 = vector.shape_cast %parallel_loop3A_283 : vector<1x1x16xf32> to vector<16xf32>
        %parallel_loop3A_285 = arith.addf %parallel_loop3A_257, %parallel_loop3A_284 : vector<16xf32>
        scf.yield %parallel_loop3A_264, %parallel_loop3A_271, %parallel_loop3A_278, %parallel_loop3A_285 : vector<16xf32>, vector<16xf32>, vector<16xf32>, vector<16xf32>
      } {sc.loop_unroll_factor = 4 : i64, sc.parallel_access}
      %lt3A_181 = arith.constant 63 : i32
      %lt3A_182 = arith.cmpi slt, %scan3A_31, %lt3A_181 : i32
      %convert_element_type3A_183 = arith.extui %lt3A_182 : i1 to i32
      %cond3A_184 = arith.constant 0 : i32
      %cond3A_185 = arith.cmpi ne, %convert_element_type3A_183, %cond3A_184 : i32
      scf.if %cond3A_185 {
        %add3A_253 = arith.constant 1 : i32
        %add3A_254 = arith.addi %scan3A_31, %add3A_253 : i32
        %mul3A_255 = arith.constant 2 : i32
        %mul3A_256 = arith.muli %add3A_254, %mul3A_255 : i32
        %add3A_257 = arith.constant 0 : i32
        %add3A_258 = arith.addi %mul3A_256, %add3A_257 : i32
        %dma_start3A_259 = arith.constant 1 : i32
        %dma_start3A_260 = arith.constant 0 : i32
        %dma_start3A_261 = arith.constant 0 : i32
        %dma_start3A_262 = tpu.memref_slice %arg6[%dma_start3A_259, %dma_start3A_260, %dma_start3A_261] : memref<4x104x64xf32, #tpu.memory_space<vmem>> -> memref<1x96x64xf32, #tpu.memory_space<vmem>>
        %dma_start3A_263 = tpu.memref_squeeze %dma_start3A_262 : memref<1x96x64xf32, #tpu.memory_space<vmem>> -> memref<96x64xf32, #tpu.memory_space<vmem>>
        %dma_start3A_264 = arith.constant 104 : i32
        %dma_start3A_265 = tpu.memref_slice %arg5[%add3A_258, %dma_start3A_264] : memref<128x200xi32, #tpu.memory_space<vmem>> -> memref<1x96xi32, #tpu.memory_space<vmem>>
        %dma_start3A_266 = tpu.memref_squeeze %dma_start3A_265 : memref<1x96xi32, #tpu.memory_space<vmem>> -> memref<96xi32, #tpu.memory_space<vmem>>
        %dma_start3A_267 = arith.constant 0 : i32
        %dma_start3A_268 = arith.constant 0 : i32
        %dma_start3A_269 = tpu.memref_slice %arg3[%dma_start3A_267, %dma_start3A_268] : memref<1000000x64xf32, #tpu.memory_space<hbm>> -> memref<1000000x64xf32, #tpu.memory_space<hbm>>
        tpu.enqueue_indirect_dma source(%dma_start3A_269 : memref<1000000x64xf32, #tpu.memory_space<hbm>>) target(%dma_start3A_263 : memref<96x64xf32, #tpu.memory_space<vmem>>) offsets(%dma_start3A_266 : memref<96xi32, #tpu.memory_space<vmem>>) semaphore(%arg9 : memref<!tpu.dma_semaphore, #tpu.memory_space<semaphore_mem>>)
      } else {
      }
      %mul3A_186 = arith.constant 2 : i32
      %mul3A_187 = arith.muli %scan3A_31, %mul3A_186 : i32
      %add3A_188 = arith.constant 1 : i32
      %add3A_189 = arith.addi %mul3A_187, %add3A_188 : i32
      %dma_wait3A_190 = arith.constant 3 : i32
      %dma_wait3A_191 = arith.constant 0 : i32
      %dma_wait3A_192 = arith.constant 0 : i32
      %dma_wait3A_193 = tpu.memref_slice %arg6[%dma_wait3A_190, %dma_wait3A_191, %dma_wait3A_192] : memref<4x104x64xf32, #tpu.memory_space<vmem>> -> memref<1x96x64xf32, #tpu.memory_space<vmem>>
      %dma_wait3A_194 = tpu.memref_squeeze %dma_wait3A_193 : memref<1x96x64xf32, #tpu.memory_space<vmem>> -> memref<96x64xf32, #tpu.memory_space<vmem>>
      %dma_wait3A_195 = arith.constant 104 : i32
      %dma_wait3A_196 = tpu.memref_slice %arg5[%add3A_189, %dma_wait3A_195] : memref<128x200xi32, #tpu.memory_space<vmem>> -> memref<1x96xi32, #tpu.memory_space<vmem>>
      %dma_wait3A_197 = tpu.memref_squeeze %dma_wait3A_196 : memref<1x96xi32, #tpu.memory_space<vmem>> -> memref<96xi32, #tpu.memory_space<vmem>>
      %dma_wait3A_198 = arith.constant 0 : i32
      %dma_wait3A_199 = arith.constant 0 : i32
      %dma_wait3A_200 = tpu.memref_slice %arg3[%dma_wait3A_198, %dma_wait3A_199] : memref<1000000x64xf32, #tpu.memory_space<hbm>> -> memref<1000000x64xf32, #tpu.memory_space<hbm>>
      tpu.wait_indirect_dma semaphore(%arg11 : memref<!tpu.dma_semaphore, #tpu.memory_space<semaphore_mem>>) src(%dma_wait3A_200 : memref<1000000x64xf32, #tpu.memory_space<hbm>>) dst(%dma_wait3A_194 : memref<96x64xf32, #tpu.memory_space<vmem>>)
      %parallel_loop3A_201 = arith.constant 0 : i32
      %parallel_loop3A_202 = arith.constant 96 : i32
      %parallel_loop3A_203 = arith.constant 1 : i32
      %parallel_loop3A_204:4 = scf.for %parallel_loop3A_253 = %parallel_loop3A_201 to %parallel_loop3A_202 step %parallel_loop3A_203 iter_args(%parallel_loop3A_254 = %parallel_loop3A_180#0, %parallel_loop3A_255 = %parallel_loop3A_180#1, %parallel_loop3A_256 = %parallel_loop3A_180#2, %parallel_loop3A_257 = %parallel_loop3A_180#3) -> (vector<16xf32>, vector<16xf32>, vector<16xf32>, vector<16xf32>)  : i32 {
        %parallel_loop3A_258 = arith.constant 3 : i32
        %parallel_loop3A_259 = arith.index_cast %parallel_loop3A_258 : i32 to index
        %parallel_loop3A_260 = arith.index_cast %parallel_loop3A_253 : i32 to index
        %parallel_loop3A_261 = arith.constant 0 : index
        %parallel_loop3A_262 = tpu.vector_load %arg6[%parallel_loop3A_259, %parallel_loop3A_260, %parallel_loop3A_261] {strides = array<i32>} : memref<4x104x64xf32, #tpu.memory_space<vmem>>, vector<1x1x16xf32>,
        %parallel_loop3A_263 = vector.shape_cast %parallel_loop3A_262 : vector<1x1x16xf32> to vector<16xf32>
        %parallel_loop3A_264 = arith.addf %parallel_loop3A_254, %parallel_loop3A_263 : vector<16xf32>
        %parallel_loop3A_265 = arith.constant 3 : i32
        %parallel_loop3A_266 = arith.index_cast %parallel_loop3A_265 : i32 to index
        %parallel_loop3A_267 = arith.index_cast %parallel_loop3A_253 : i32 to index
        %parallel_loop3A_268 = arith.constant 16 : index
        %parallel_loop3A_269 = tpu.vector_load %arg6[%parallel_loop3A_266, %parallel_loop3A_267, %parallel_loop3A_268] {strides = array<i32>} : memref<4x104x64xf32, #tpu.memory_space<vmem>>, vector<1x1x16xf32>,
        %parallel_loop3A_270 = vector.shape_cast %parallel_loop3A_269 : vector<1x1x16xf32> to vector<16xf32>
        %parallel_loop3A_271 = arith.addf %parallel_loop3A_255, %parallel_loop3A_270 : vector<16xf32>
        %parallel_loop3A_272 = arith.constant 3 : i32
        %parallel_loop3A_273 = arith.index_cast %parallel_loop3A_272 : i32 to index
        %parallel_loop3A_274 = arith.index_cast %parallel_loop3A_253 : i32 to index
        %parallel_loop3A_275 = arith.constant 32 : index
        %parallel_loop3A_276 = tpu.vector_load %arg6[%parallel_loop3A_273, %parallel_loop3A_274, %parallel_loop3A_275] {strides = array<i32>} : memref<4x104x64xf32, #tpu.memory_space<vmem>>, vector<1x1x16xf32>,
        %parallel_loop3A_277 = vector.shape_cast %parallel_loop3A_276 : vector<1x1x16xf32> to vector<16xf32>
        %parallel_loop3A_278 = arith.addf %parallel_loop3A_256, %parallel_loop3A_277 : vector<16xf32>
        %parallel_loop3A_279 = arith.constant 3 : i32
        %parallel_loop3A_280 = arith.index_cast %parallel_loop3A_279 : i32 to index
        %parallel_loop3A_281 = arith.index_cast %parallel_loop3A_253 : i32 to index
        %parallel_loop3A_282 = arith.constant 48 : index
        %parallel_loop3A_283 = tpu.vector_load %arg6[%parallel_loop3A_280, %parallel_loop3A_281, %parallel_loop3A_282] {strides = array<i32>} : memref<4x104x64xf32, #tpu.memory_space<vmem>>, vector<1x1x16xf32>,
        %parallel_loop3A_284 = vector.shape_cast %parallel_loop3A_283 : vector<1x1x16xf32> to vector<16xf32>
        %parallel_loop3A_285 = arith.addf %parallel_loop3A_257, %parallel_loop3A_284 : vector<16xf32>
        scf.yield %parallel_loop3A_264, %parallel_loop3A_271, %parallel_loop3A_278, %parallel_loop3A_285 : vector<16xf32>, vector<16xf32>, vector<16xf32>, vector<16xf32>
      } {sc.loop_unroll_factor = 4 : i64, sc.parallel_access}
      %mul3A_205 = arith.constant 5.000000e-03 : f32
      %mul3A_206 = vector.broadcast %mul3A_205 : f32 to vector<16xf32>
      %mul3A_207 = arith.mulf %parallel_loop3A_204#0, %mul3A_206 : vector<16xf32>
      %mul3A_208 = arith.constant 2 : i32
      %mul3A_209 = arith.muli %scan3A_31, %mul3A_208 : i32
      %add3A_210 = arith.constant 1 : i32
      %add3A_211 = arith.addi %mul3A_209, %add3A_210 : i32
      %swap3A_212 = arith.index_cast %add3A_211 : i32 to index
      %swap3A_213 = arith.constant 0 : index
      %swap3A_214 = tpu.vector_load %arg7[%swap3A_212, %swap3A_213] {strides = array<i32>} : memref<128x64xf32, #tpu.memory_space<vmem>>, vector<1x16xf32>,
      %swap3A_215 = vector.shape_cast %swap3A_214 : vector<1x16xf32> to vector<16xf32>
      %swap3A_216 = vector.shape_cast %mul3A_207 : vector<16xf32> to vector<1x16xf32>
      tpu.vector_store %arg7[%swap3A_212, %swap3A_213], %swap3A_216 {strides = array<i32>} : memref<128x64xf32, #tpu.memory_space<vmem>>, vector<1x16xf32>,
      %mul3A_217 = arith.constant 5.000000e-03 : f32
      %mul3A_218 = vector.broadcast %mul3A_217 : f32 to vector<16xf32>
      %mul3A_219 = arith.mulf %parallel_loop3A_204#1, %mul3A_218 : vector<16xf32>
      %mul3A_220 = arith.constant 2 : i32
      %mul3A_221 = arith.muli %scan3A_31, %mul3A_220 : i32
      %add3A_222 = arith.constant 1 : i32
      %add3A_223 = arith.addi %mul3A_221, %add3A_222 : i32
      %swap3A_224 = arith.index_cast %add3A_223 : i32 to index
      %swap3A_225 = arith.constant 16 : index
      %swap3A_226 = tpu.vector_load %arg7[%swap3A_224, %swap3A_225] {strides = array<i32>} : memref<128x64xf32, #tpu.memory_space<vmem>>, vector<1x16xf32>,
      %swap3A_227 = vector.shape_cast %swap3A_226 : vector<1x16xf32> to vector<16xf32>
      %swap3A_228 = vector.shape_cast %mul3A_219 : vector<16xf32> to vector<1x16xf32>
      tpu.vector_store %arg7[%swap3A_224, %swap3A_225], %swap3A_228 {strides = array<i32>} : memref<128x64xf32, #tpu.memory_space<vmem>>, vector<1x16xf32>,
      %mul3A_229 = arith.constant 5.000000e-03 : f32
      %mul3A_230 = vector.broadcast %mul3A_229 : f32 to vector<16xf32>
      %mul3A_231 = arith.mulf %parallel_loop3A_204#2, %mul3A_230 : vector<16xf32>
      %mul3A_232 = arith.constant 2 : i32
      %mul3A_233 = arith.muli %scan3A_31, %mul3A_232 : i32
      %add3A_234 = arith.constant 1 : i32
      %add3A_235 = arith.addi %mul3A_233, %add3A_234 : i32
      %swap3A_236 = arith.index_cast %add3A_235 : i32 to index
      %swap3A_237 = arith.constant 32 : index
      %swap3A_238 = tpu.vector_load %arg7[%swap3A_236, %swap3A_237] {strides = array<i32>} : memref<128x64xf32, #tpu.memory_space<vmem>>, vector<1x16xf32>,
      %swap3A_239 = vector.shape_cast %swap3A_238 : vector<1x16xf32> to vector<16xf32>
      %swap3A_240 = vector.shape_cast %mul3A_231 : vector<16xf32> to vector<1x16xf32>
      tpu.vector_store %arg7[%swap3A_236, %swap3A_237], %swap3A_240 {strides = array<i32>} : memref<128x64xf32, #tpu.memory_space<vmem>>, vector<1x16xf32>,
      %mul3A_241 = arith.constant 5.000000e-03 : f32
      %mul3A_242 = vector.broadcast %mul3A_241 : f32 to vector<16xf32>
      %mul3A_243 = arith.mulf %parallel_loop3A_204#3, %mul3A_242 : vector<16xf32>
      %mul3A_244 = arith.constant 2 : i32
      %mul3A_245 = arith.muli %scan3A_31, %mul3A_244 : i32
      %add3A_246 = arith.constant 1 : i32
      %add3A_247 = arith.addi %mul3A_245, %add3A_246 : i32
      %swap3A_248 = arith.index_cast %add3A_247 : i32 to index
      %swap3A_249 = arith.constant 48 : index
      %swap3A_250 = tpu.vector_load %arg7[%swap3A_248, %swap3A_249] {strides = array<i32>} : memref<128x64xf32, #tpu.memory_space<vmem>>, vector<1x16xf32>,
      %swap3A_251 = vector.shape_cast %swap3A_250 : vector<1x16xf32> to vector<16xf32>
      %swap3A_252 = vector.shape_cast %mul3A_243 : vector<16xf32> to vector<1x16xf32>
      tpu.vector_store %arg7[%swap3A_248, %swap3A_249], %swap3A_252 {strides = array<i32>} : memref<128x64xf32, #tpu.memory_space<vmem>>, vector<1x16xf32>,
    }
    %scan3A_30 = arith.constant 64 : i32
    "tpu.region"() ({
      %run_scoped3A = tpu.sem_alloc : memref<!tpu.dma_semaphore, #tpu.memory_space<semaphore_mem>>
      %dma_start3A_31 = arith.constant 0 : i32
      %dma_start3A_32 = tpu.memref_slice %arg4[%mul3A_2, %dma_start3A_31] : memref<4096x64xf32, #tpu.memory_space<hbm>> -> memref<128x64xf32, #tpu.memory_space<hbm>>
      %dma_start3A_33 = arith.constant 0 : i32
      %dma_start3A_34 = tpu.memref_slice %arg4[%mul3A_2, %dma_start3A_33] : memref<4096x64xf32, #tpu.memory_space<hbm>> -> memref<128x64xf32, #tpu.memory_space<hbm>>
      tpu.enqueue_dma source(%arg7 : memref<128x64xf32, #tpu.memory_space<vmem>>) target(%dma_start3A_34 : memref<128x64xf32, #tpu.memory_space<hbm>>) target_semaphore(%run_scoped3A : memref<!tpu.dma_semaphore, #tpu.memory_space<semaphore_mem>>)
      %dma_wait3A = arith.constant 0 : i32
      %dma_wait3A_35 = tpu.memref_slice %arg4[%mul3A_2, %dma_wait3A] : memref<4096x64xf32, #tpu.memory_space<hbm>> -> memref<128x64xf32, #tpu.memory_space<hbm>>
      %dma_wait3A_36 = arith.constant 0 : i32
      %dma_wait3A_37 = tpu.memref_slice %arg4[%mul3A_2, %dma_wait3A_36] : memref<4096x64xf32, #tpu.memory_space<hbm>> -> memref<128x64xf32, #tpu.memory_space<hbm>>
      tpu.wait_dma2 semaphore(%run_scoped3A : memref<!tpu.dma_semaphore, #tpu.memory_space<semaphore_mem>>) src(%arg7 : memref<128x64xf32, #tpu.memory_space<vmem>>) dst(%dma_wait3A_37 : memref<128x64xf32, #tpu.memory_space<hbm>>)
      tpu.yield
    }) : () -> ()
    return
  }
}

#map = affine_map<(d0, d1) -> (0, 0)>
module attributes {stable_mosaic.version = 14 : i64} {
  func.func @_pool_body(%arg0: i32, %arg1: i32, %arg2: memref<4096x200xi32, #tpu.memory_space<hbm>>, %arg3: memref<1000000x64xf32, #tpu.memory_space<hbm>>, %arg4: memref<4096x64xf32, #tpu.memory_space<hbm>>, %arg5: memref<128x200xi32, #tpu.memory_space<vmem>>, %arg6: memref<4x104x64xf32, #tpu.memory_space<vmem>>, %arg7: memref<128x64xf32, #tpu.memory_space<vmem>>, %arg8: memref<!tpu.dma_semaphore, #tpu.memory_space<semaphore_mem>>, %arg9: memref<!tpu.dma_semaphore, #tpu.memory_space<semaphore_mem>>, %arg10: memref<!tpu.dma_semaphore, #tpu.memory_space<semaphore_mem>>, %arg11: memref<!tpu.dma_semaphore, #tpu.memory_space<semaphore_mem>>) attributes {dimension_semantics = [#tpu.dimension_semantics<core_parallel>, #tpu.dimension_semantics<subcore_parallel>], iteration_bounds = array<i64: 2, 16>, scalar_prefetch = 0 : i64, scratch_operands = 7 : i64, tpu.core_type = #tpu.core_type<sc_vector_subcore>, window_params = [{transform_indices = #map}, {transform_indices = #map}, {transform_indices = #map}]} {
    %mul3A = arith.constant 2 : i32
    %mul3A_0 = arith.muli %arg1, %mul3A : i32
    %add3A = arith.addi %mul3A_0, %arg0 : i32
    %mul3A_1 = arith.constant 128 : i32
    %mul3A_2 = arith.muli %add3A, %mul3A_1 : i32
    "tpu.region"() ({
      %run_scoped3A = tpu.sem_alloc : memref<!tpu.dma_semaphore, #tpu.memory_space<semaphore_mem>>
      %dma_start3A_31 = arith.constant 0 : i32
      %dma_start3A_32 = tpu.memref_slice %arg2[%mul3A_2, %dma_start3A_31] : memref<4096x200xi32, #tpu.memory_space<hbm>> -> memref<128x200xi32, #tpu.memory_space<hbm>>
      %dma_start3A_33 = arith.constant 0 : i32
      %dma_start3A_34 = tpu.memref_slice %arg2[%mul3A_2, %dma_start3A_33] : memref<4096x200xi32, #tpu.memory_space<hbm>> -> memref<128x200xi32, #tpu.memory_space<hbm>>
      tpu.enqueue_dma source(%dma_start3A_34 : memref<128x200xi32, #tpu.memory_space<hbm>>) target(%arg5 : memref<128x200xi32, #tpu.memory_space<vmem>>) target_semaphore(%run_scoped3A : memref<!tpu.dma_semaphore, #tpu.memory_space<semaphore_mem>>)
      %dma_wait3A = arith.constant 0 : i32
      %dma_wait3A_35 = tpu.memref_slice %arg2[%mul3A_2, %dma_wait3A] : memref<4096x200xi32, #tpu.memory_space<hbm>> -> memref<128x200xi32, #tpu.memory_space<hbm>>
      %dma_wait3A_36 = arith.constant 0 : i32
      %dma_wait3A_37 = tpu.memref_slice %arg2[%mul3A_2, %dma_wait3A_36] : memref<4096x200xi32, #tpu.memory_space<hbm>> -> memref<128x200xi32, #tpu.memory_space<hbm>>
      tpu.wait_dma2 semaphore(%run_scoped3A : memref<!tpu.dma_semaphore, #tpu.memory_space<semaphore_mem>>) src(%dma_wait3A_37 : memref<128x200xi32, #tpu.memory_space<hbm>>) dst(%arg5 : memref<128x200xi32, #tpu.memory_space<vmem>>)
      tpu.yield
    }) : () -> ()
    %dma_start3A = arith.constant 0 : i32
    %dma_start3A_3 = arith.constant 0 : i32
    %dma_start3A_4 = arith.constant 0 : i32
    %dma_start3A_5 = arith.constant 0 : i32
    %dma_start3A_6 = tpu.memref_slice %arg6[%dma_start3A_3, %dma_start3A_4, %dma_start3A_5] : memref<4x104x64xf32, #tpu.memory_space<vmem>> -> memref<1x104x64xf32, #tpu.memory_space<vmem>>
    %dma_start3A_7 = tpu.memref_squeeze %dma_start3A_6 : memref<1x104x64xf32, #tpu.memory_space<vmem>> -> memref<104x64xf32, #tpu.memory_space<vmem>>
    %dma_start3A_8 = arith.constant 0 : i32
    %dma_start3A_9 = tpu.memref_slice %arg5[%dma_start3A, %dma_start3A_8] : memref<128x200xi32, #tpu.memory_space<vmem>> -> memref<1x104xi32, #tpu.memory_space<vmem>>
    %dma_start3A_10 = tpu.memref_squeeze %dma_start3A_9 : memref<1x104xi32, #tpu.memory_space<vmem>> -> memref<104xi32, #tpu.memory_space<vmem>>
    %dma_start3A_11 = arith.constant 0 : i32
    %dma_start3A_12 = arith.constant 0 : i32
    %dma_start3A_13 = tpu.memref_slice %arg3[%dma_start3A_11, %dma_start3A_12] : memref<1000000x64xf32, #tpu.memory_space<hbm>> -> memref<1000000x64xf32, #tpu.memory_space<hbm>>
    tpu.enqueue_indirect_dma source(%dma_start3A_13 : memref<1000000x64xf32, #tpu.memory_space<hbm>>) target(%dma_start3A_7 : memref<104x64xf32, #tpu.memory_space<vmem>>) offsets(%dma_start3A_10 : memref<104xi32, #tpu.memory_space<vmem>>) semaphore(%arg8 : memref<!tpu.dma_semaphore, #tpu.memory_space<semaphore_mem>>)
    %dma_start3A_14 = arith.constant 0 : i32
    %dma_start3A_15 = arith.constant 1 : i32
    %dma_start3A_16 = arith.constant 0 : i32
    %dma_start3A_17 = arith.constant 0 : i32
    %dma_start3A_18 = tpu.memref_slice %arg6[%dma_start3A_15, %dma_start3A_16, %dma_start3A_17] : memref<4x104x64xf32, #tpu.memory_space<vmem>> -> memref<1x96x64xf32, #tpu.memory_space<vmem>>
    %dma_start3A_19 = tpu.memref_squeeze %dma_start3A_18 : memref<1x96x64xf32, #tpu.memory_space<vmem>> -> memref<96x64xf32, #tpu.memory_space<vmem>>
    %dma_start3A_20 = arith.constant 104 : i32
    %dma_start3A_21 = tpu.memref_slice %arg5[%dma_start3A_14, %dma_start3A_20] : memref<128x200xi32, #tpu.memory_space<vmem>> -> memref<1x96xi32, #tpu.memory_space<vmem>>
    %dma_start3A_22 = tpu.memref_squeeze %dma_start3A_21 : memref<1x96xi32, #tpu.memory_space<vmem>> -> memref<96xi32, #tpu.memory_space<vmem>>
    %dma_start3A_23 = arith.constant 0 : i32
    %dma_start3A_24 = arith.constant 0 : i32
    %dma_start3A_25 = tpu.memref_slice %arg3[%dma_start3A_23, %dma_start3A_24] : memref<1000000x64xf32, #tpu.memory_space<hbm>> -> memref<1000000x64xf32, #tpu.memory_space<hbm>>
    tpu.enqueue_indirect_dma source(%dma_start3A_25 : memref<1000000x64xf32, #tpu.memory_space<hbm>>) target(%dma_start3A_19 : memref<96x64xf32, #tpu.memory_space<vmem>>) offsets(%dma_start3A_22 : memref<96xi32, #tpu.memory_space<vmem>>) semaphore(%arg9 : memref<!tpu.dma_semaphore, #tpu.memory_space<semaphore_mem>>)
    %scan3A = arith.constant 0 : i32
    %scan3A_26 = arith.constant 0 : i32
    %scan3A_27 = arith.constant 64 : i32
    %scan3A_28 = arith.addi %scan3A_26, %scan3A_27 : i32
    %scan3A_29 = arith.constant 1 : i32
    scf.for %scan3A_31 = %scan3A_26 to %scan3A_28 step %scan3A_29  : i32 {
      %mul3A_32 = arith.constant 2 : i32
      %mul3A_33 = arith.muli %scan3A_31, %mul3A_32 : i32
      %add3A_34 = arith.constant 1 : i32
      %add3A_35 = arith.addi %mul3A_33, %add3A_34 : i32
      %dma_start3A_36 = arith.constant 2 : i32
      %dma_start3A_37 = arith.constant 0 : i32
      %dma_start3A_38 = arith.constant 0 : i32
      %dma_start3A_39 = tpu.memref_slice %arg6[%dma_start3A_36, %dma_start3A_37, %dma_start3A_38] : memref<4x104x64xf32, #tpu.memory_space<vmem>> -> memref<1x104x64xf32, #tpu.memory_space<vmem>>
      %dma_start3A_40 = tpu.memref_squeeze %dma_start3A_39 : memref<1x104x64xf32, #tpu.memory_space<vmem>> -> memref<104x64xf32, #tpu.memory_space<vmem>>
      %dma_start3A_41 = arith.constant 0 : i32
      %dma_start3A_42 = tpu.memref_slice %arg5[%add3A_35, %dma_start3A_41] : memref<128x200xi32, #tpu.memory_space<vmem>> -> memref<1x104xi32, #tpu.memory_space<vmem>>
      %dma_start3A_43 = tpu.memref_squeeze %dma_start3A_42 : memref<1x104xi32, #tpu.memory_space<vmem>> -> memref<104xi32, #tpu.memory_space<vmem>>
      %dma_start3A_44 = arith.constant 0 : i32
      %dma_start3A_45 = arith.constant 0 : i32
      %dma_start3A_46 = tpu.memref_slice %arg3[%dma_start3A_44, %dma_start3A_45] : memref<1000000x64xf32, #tpu.memory_space<hbm>> -> memref<1000000x64xf32, #tpu.memory_space<hbm>>
      tpu.enqueue_indirect_dma source(%dma_start3A_46 : memref<1000000x64xf32, #tpu.memory_space<hbm>>) target(%dma_start3A_40 : memref<104x64xf32, #tpu.memory_space<vmem>>) offsets(%dma_start3A_43 : memref<104xi32, #tpu.memory_space<vmem>>) semaphore(%arg10 : memref<!tpu.dma_semaphore, #tpu.memory_space<semaphore_mem>>)
      %mul3A_47 = arith.constant 2 : i32
      %mul3A_48 = arith.muli %scan3A_31, %mul3A_47 : i32
      %add3A_49 = arith.constant 0 : i32
      %add3A_50 = arith.addi %mul3A_48, %add3A_49 : i32
      %dma_wait3A = arith.constant 0 : i32
      %dma_wait3A_51 = arith.constant 0 : i32
      %dma_wait3A_52 = arith.constant 0 : i32
      %dma_wait3A_53 = tpu.memref_slice %arg6[%dma_wait3A, %dma_wait3A_51, %dma_wait3A_52] : memref<4x104x64xf32, #tpu.memory_space<vmem>> -> memref<1x104x64xf32, #tpu.memory_space<vmem>>
      %dma_wait3A_54 = tpu.memref_squeeze %dma_wait3A_53 : memref<1x104x64xf32, #tpu.memory_space<vmem>> -> memref<104x64xf32, #tpu.memory_space<vmem>>
      %dma_wait3A_55 = arith.constant 0 : i32
      %dma_wait3A_56 = tpu.memref_slice %arg5[%add3A_50, %dma_wait3A_55] : memref<128x200xi32, #tpu.memory_space<vmem>> -> memref<1x104xi32, #tpu.memory_space<vmem>>
      %dma_wait3A_57 = tpu.memref_squeeze %dma_wait3A_56 : memref<1x104xi32, #tpu.memory_space<vmem>> -> memref<104xi32, #tpu.memory_space<vmem>>
      %dma_wait3A_58 = arith.constant 0 : i32
      %dma_wait3A_59 = arith.constant 0 : i32
      %dma_wait3A_60 = tpu.memref_slice %arg3[%dma_wait3A_58, %dma_wait3A_59] : memref<1000000x64xf32, #tpu.memory_space<hbm>> -> memref<1000000x64xf32, #tpu.memory_space<hbm>>
      tpu.wait_indirect_dma semaphore(%arg8 : memref<!tpu.dma_semaphore, #tpu.memory_space<semaphore_mem>>) src(%dma_wait3A_60 : memref<1000000x64xf32, #tpu.memory_space<hbm>>) dst(%dma_wait3A_54 : memref<104x64xf32, #tpu.memory_space<vmem>>)
      %broadcast_in_dim3A = arith.constant 0.000000e+00 : f32
      %broadcast_in_dim3A_61 = vector.broadcast %broadcast_in_dim3A : f32 to vector<16xf32>
      %broadcast_in_dim3A_62 = arith.constant 0.000000e+00 : f32
      %broadcast_in_dim3A_63 = vector.broadcast %broadcast_in_dim3A_62 : f32 to vector<16xf32>
      %broadcast_in_dim3A_64 = arith.constant 0.000000e+00 : f32
      %broadcast_in_dim3A_65 = vector.broadcast %broadcast_in_dim3A_64 : f32 to vector<16xf32>
      %broadcast_in_dim3A_66 = arith.constant 0.000000e+00 : f32
      %broadcast_in_dim3A_67 = vector.broadcast %broadcast_in_dim3A_66 : f32 to vector<16xf32>
      %parallel_loop3A = arith.constant 0 : i32
      %parallel_loop3A_68 = arith.constant 104 : i32
      %parallel_loop3A_69 = arith.constant 1 : i32
      %parallel_loop3A_70:4 = scf.for %parallel_loop3A_253 = %parallel_loop3A to %parallel_loop3A_68 step %parallel_loop3A_69 iter_args(%parallel_loop3A_254 = %broadcast_in_dim3A_61, %parallel_loop3A_255 = %broadcast_in_dim3A_63, %parallel_loop3A_256 = %broadcast_in_dim3A_65, %parallel_loop3A_257 = %broadcast_in_dim3A_67) -> (vector<16xf32>, vector<16xf32>, vector<16xf32>, vector<16xf32>)  : i32 {
        %parallel_loop3A_258 = arith.constant 0 : i32
        %parallel_loop3A_259 = arith.index_cast %parallel_loop3A_258 : i32 to index
        %parallel_loop3A_260 = arith.index_cast %parallel_loop3A_253 : i32 to index
        %parallel_loop3A_261 = arith.constant 0 : index
        %parallel_loop3A_262 = tpu.vector_load %arg6[%parallel_loop3A_259, %parallel_loop3A_260, %parallel_loop3A_261] {strides = array<i32>} : memref<4x104x64xf32, #tpu.memory_space<vmem>>, vector<1x1x16xf32>,
        %parallel_loop3A_263 = vector.shape_cast %parallel_loop3A_262 : vector<1x1x16xf32> to vector<16xf32>
        %parallel_loop3A_264 = arith.addf %parallel_loop3A_254, %parallel_loop3A_263 : vector<16xf32>
        %parallel_loop3A_265 = arith.constant 0 : i32
        %parallel_loop3A_266 = arith.index_cast %parallel_loop3A_265 : i32 to index
        %parallel_loop3A_267 = arith.index_cast %parallel_loop3A_253 : i32 to index
        %parallel_loop3A_268 = arith.constant 16 : index
        %parallel_loop3A_269 = tpu.vector_load %arg6[%parallel_loop3A_266, %parallel_loop3A_267, %parallel_loop3A_268] {strides = array<i32>} : memref<4x104x64xf32, #tpu.memory_space<vmem>>, vector<1x1x16xf32>,
        %parallel_loop3A_270 = vector.shape_cast %parallel_loop3A_269 : vector<1x1x16xf32> to vector<16xf32>
        %parallel_loop3A_271 = arith.addf %parallel_loop3A_255, %parallel_loop3A_270 : vector<16xf32>
        %parallel_loop3A_272 = arith.constant 0 : i32
        %parallel_loop3A_273 = arith.index_cast %parallel_loop3A_272 : i32 to index
        %parallel_loop3A_274 = arith.index_cast %parallel_loop3A_253 : i32 to index
        %parallel_loop3A_275 = arith.constant 32 : index
        %parallel_loop3A_276 = tpu.vector_load %arg6[%parallel_loop3A_273, %parallel_loop3A_274, %parallel_loop3A_275] {strides = array<i32>} : memref<4x104x64xf32, #tpu.memory_space<vmem>>, vector<1x1x16xf32>,
        %parallel_loop3A_277 = vector.shape_cast %parallel_loop3A_276 : vector<1x1x16xf32> to vector<16xf32>
        %parallel_loop3A_278 = arith.addf %parallel_loop3A_256, %parallel_loop3A_277 : vector<16xf32>
        %parallel_loop3A_279 = arith.constant 0 : i32
        %parallel_loop3A_280 = arith.index_cast %parallel_loop3A_279 : i32 to index
        %parallel_loop3A_281 = arith.index_cast %parallel_loop3A_253 : i32 to index
        %parallel_loop3A_282 = arith.constant 48 : index
        %parallel_loop3A_283 = tpu.vector_load %arg6[%parallel_loop3A_280, %parallel_loop3A_281, %parallel_loop3A_282] {strides = array<i32>} : memref<4x104x64xf32, #tpu.memory_space<vmem>>, vector<1x1x16xf32>,
        %parallel_loop3A_284 = vector.shape_cast %parallel_loop3A_283 : vector<1x1x16xf32> to vector<16xf32>
        %parallel_loop3A_285 = arith.addf %parallel_loop3A_257, %parallel_loop3A_284 : vector<16xf32>
        scf.yield %parallel_loop3A_264, %parallel_loop3A_271, %parallel_loop3A_278, %parallel_loop3A_285 : vector<16xf32>, vector<16xf32>, vector<16xf32>, vector<16xf32>
      } {sc.loop_unroll_factor = 4 : i64, sc.parallel_access}
      %mul3A_71 = arith.constant 2 : i32
      %mul3A_72 = arith.muli %scan3A_31, %mul3A_71 : i32
      %add3A_73 = arith.constant 1 : i32
      %add3A_74 = arith.addi %mul3A_72, %add3A_73 : i32
      %dma_start3A_75 = arith.constant 3 : i32
      %dma_start3A_76 = arith.constant 0 : i32
      %dma_start3A_77 = arith.constant 0 : i32
      %dma_start3A_78 = tpu.memref_slice %arg6[%dma_start3A_75, %dma_start3A_76, %dma_start3A_77] : memref<4x104x64xf32, #tpu.memory_space<vmem>> -> memref<1x96x64xf32, #tpu.memory_space<vmem>>
      %dma_start3A_79 = tpu.memref_squeeze %dma_start3A_78 : memref<1x96x64xf32, #tpu.memory_space<vmem>> -> memref<96x64xf32, #tpu.memory_space<vmem>>
      %dma_start3A_80 = arith.constant 104 : i32
      %dma_start3A_81 = tpu.memref_slice %arg5[%add3A_74, %dma_start3A_80] : memref<128x200xi32, #tpu.memory_space<vmem>> -> memref<1x96xi32, #tpu.memory_space<vmem>>
      %dma_start3A_82 = tpu.memref_squeeze %dma_start3A_81 : memref<1x96xi32, #tpu.memory_space<vmem>> -> memref<96xi32, #tpu.memory_space<vmem>>
      %dma_start3A_83 = arith.constant 0 : i32
      %dma_start3A_84 = arith.constant 0 : i32
      %dma_start3A_85 = tpu.memref_slice %arg3[%dma_start3A_83, %dma_start3A_84] : memref<1000000x64xf32, #tpu.memory_space<hbm>> -> memref<1000000x64xf32, #tpu.memory_space<hbm>>
      tpu.enqueue_indirect_dma source(%dma_start3A_85 : memref<1000000x64xf32, #tpu.memory_space<hbm>>) target(%dma_start3A_79 : memref<96x64xf32, #tpu.memory_space<vmem>>) offsets(%dma_start3A_82 : memref<96xi32, #tpu.memory_space<vmem>>) semaphore(%arg11 : memref<!tpu.dma_semaphore, #tpu.memory_space<semaphore_mem>>)
      %mul3A_86 = arith.constant 2 : i32
      %mul3A_87 = arith.muli %scan3A_31, %mul3A_86 : i32
      %add3A_88 = arith.constant 0 : i32
      %add3A_89 = arith.addi %mul3A_87, %add3A_88 : i32
      %dma_wait3A_90 = arith.constant 1 : i32
      %dma_wait3A_91 = arith.constant 0 : i32
      %dma_wait3A_92 = arith.constant 0 : i32
      %dma_wait3A_93 = tpu.memref_slice %arg6[%dma_wait3A_90, %dma_wait3A_91, %dma_wait3A_92] : memref<4x104x64xf32, #tpu.memory_space<vmem>> -> memref<1x96x64xf32, #tpu.memory_space<vmem>>
      %dma_wait3A_94 = tpu.memref_squeeze %dma_wait3A_93 : memref<1x96x64xf32, #tpu.memory_space<vmem>> -> memref<96x64xf32, #tpu.memory_space<vmem>>
      %dma_wait3A_95 = arith.constant 104 : i32
      %dma_wait3A_96 = tpu.memref_slice %arg5[%add3A_89, %dma_wait3A_95] : memref<128x200xi32, #tpu.memory_space<vmem>> -> memref<1x96xi32, #tpu.memory_space<vmem>>
      %dma_wait3A_97 = tpu.memref_squeeze %dma_wait3A_96 : memref<1x96xi32, #tpu.memory_space<vmem>> -> memref<96xi32, #tpu.memory_space<vmem>>
      %dma_wait3A_98 = arith.constant 0 : i32
      %dma_wait3A_99 = arith.constant 0 : i32
      %dma_wait3A_100 = tpu.memref_slice %arg3[%dma_wait3A_98, %dma_wait3A_99] : memref<1000000x64xf32, #tpu.memory_space<hbm>> -> memref<1000000x64xf32, #tpu.memory_space<hbm>>
      tpu.wait_indirect_dma semaphore(%arg9 : memref<!tpu.dma_semaphore, #tpu.memory_space<semaphore_mem>>) src(%dma_wait3A_100 : memref<1000000x64xf32, #tpu.memory_space<hbm>>) dst(%dma_wait3A_94 : memref<96x64xf32, #tpu.memory_space<vmem>>)
      %parallel_loop3A_101 = arith.constant 0 : i32
      %parallel_loop3A_102 = arith.constant 96 : i32
      %parallel_loop3A_103 = arith.constant 1 : i32
      %parallel_loop3A_104:4 = scf.for %parallel_loop3A_253 = %parallel_loop3A_101 to %parallel_loop3A_102 step %parallel_loop3A_103 iter_args(%parallel_loop3A_254 = %parallel_loop3A_70#0, %parallel_loop3A_255 = %parallel_loop3A_70#1, %parallel_loop3A_256 = %parallel_loop3A_70#2, %parallel_loop3A_257 = %parallel_loop3A_70#3) -> (vector<16xf32>, vector<16xf32>, vector<16xf32>, vector<16xf32>)  : i32 {
        %parallel_loop3A_258 = arith.constant 1 : i32
        %parallel_loop3A_259 = arith.index_cast %parallel_loop3A_258 : i32 to index
        %parallel_loop3A_260 = arith.index_cast %parallel_loop3A_253 : i32 to index
        %parallel_loop3A_261 = arith.constant 0 : index
        %parallel_loop3A_262 = tpu.vector_load %arg6[%parallel_loop3A_259, %parallel_loop3A_260, %parallel_loop3A_261] {strides = array<i32>} : memref<4x104x64xf32, #tpu.memory_space<vmem>>, vector<1x1x16xf32>,
        %parallel_loop3A_263 = vector.shape_cast %parallel_loop3A_262 : vector<1x1x16xf32> to vector<16xf32>
        %parallel_loop3A_264 = arith.addf %parallel_loop3A_254, %parallel_loop3A_263 : vector<16xf32>
        %parallel_loop3A_265 = arith.constant 1 : i32
        %parallel_loop3A_266 = arith.index_cast %parallel_loop3A_265 : i32 to index
        %parallel_loop3A_267 = arith.index_cast %parallel_loop3A_253 : i32 to index
        %parallel_loop3A_268 = arith.constant 16 : index
        %parallel_loop3A_269 = tpu.vector_load %arg6[%parallel_loop3A_266, %parallel_loop3A_267, %parallel_loop3A_268] {strides = array<i32>} : memref<4x104x64xf32, #tpu.memory_space<vmem>>, vector<1x1x16xf32>,
        %parallel_loop3A_270 = vector.shape_cast %parallel_loop3A_269 : vector<1x1x16xf32> to vector<16xf32>
        %parallel_loop3A_271 = arith.addf %parallel_loop3A_255, %parallel_loop3A_270 : vector<16xf32>
        %parallel_loop3A_272 = arith.constant 1 : i32
        %parallel_loop3A_273 = arith.index_cast %parallel_loop3A_272 : i32 to index
        %parallel_loop3A_274 = arith.index_cast %parallel_loop3A_253 : i32 to index
        %parallel_loop3A_275 = arith.constant 32 : index
        %parallel_loop3A_276 = tpu.vector_load %arg6[%parallel_loop3A_273, %parallel_loop3A_274, %parallel_loop3A_275] {strides = array<i32>} : memref<4x104x64xf32, #tpu.memory_space<vmem>>, vector<1x1x16xf32>,
        %parallel_loop3A_277 = vector.shape_cast %parallel_loop3A_276 : vector<1x1x16xf32> to vector<16xf32>
        %parallel_loop3A_278 = arith.addf %parallel_loop3A_256, %parallel_loop3A_277 : vector<16xf32>
        %parallel_loop3A_279 = arith.constant 1 : i32
        %parallel_loop3A_280 = arith.index_cast %parallel_loop3A_279 : i32 to index
        %parallel_loop3A_281 = arith.index_cast %parallel_loop3A_253 : i32 to index
        %parallel_loop3A_282 = arith.constant 48 : index
        %parallel_loop3A_283 = tpu.vector_load %arg6[%parallel_loop3A_280, %parallel_loop3A_281, %parallel_loop3A_282] {strides = array<i32>} : memref<4x104x64xf32, #tpu.memory_space<vmem>>, vector<1x1x16xf32>,
        %parallel_loop3A_284 = vector.shape_cast %parallel_loop3A_283 : vector<1x1x16xf32> to vector<16xf32>
        %parallel_loop3A_285 = arith.addf %parallel_loop3A_257, %parallel_loop3A_284 : vector<16xf32>
        scf.yield %parallel_loop3A_264, %parallel_loop3A_271, %parallel_loop3A_278, %parallel_loop3A_285 : vector<16xf32>, vector<16xf32>, vector<16xf32>, vector<16xf32>
      } {sc.loop_unroll_factor = 4 : i64, sc.parallel_access}
      %mul3A_105 = arith.constant 5.000000e-03 : f32
      %mul3A_106 = vector.broadcast %mul3A_105 : f32 to vector<16xf32>
      %mul3A_107 = arith.mulf %parallel_loop3A_104#0, %mul3A_106 : vector<16xf32>
      %mul3A_108 = arith.constant 2 : i32
      %mul3A_109 = arith.muli %scan3A_31, %mul3A_108 : i32
      %add3A_110 = arith.constant 0 : i32
      %add3A_111 = arith.addi %mul3A_109, %add3A_110 : i32
      %swap3A = arith.index_cast %add3A_111 : i32 to index
      %swap3A_112 = arith.constant 0 : index
      %swap3A_113 = tpu.vector_load %arg7[%swap3A, %swap3A_112] {strides = array<i32>} : memref<128x64xf32, #tpu.memory_space<vmem>>, vector<1x16xf32>,
      %swap3A_114 = vector.shape_cast %swap3A_113 : vector<1x16xf32> to vector<16xf32>
      %swap3A_115 = vector.shape_cast %mul3A_107 : vector<16xf32> to vector<1x16xf32>
      tpu.vector_store %arg7[%swap3A, %swap3A_112], %swap3A_115 {strides = array<i32>} : memref<128x64xf32, #tpu.memory_space<vmem>>, vector<1x16xf32>,
      %mul3A_116 = arith.constant 5.000000e-03 : f32
      %mul3A_117 = vector.broadcast %mul3A_116 : f32 to vector<16xf32>
      %mul3A_118 = arith.mulf %parallel_loop3A_104#1, %mul3A_117 : vector<16xf32>
      %mul3A_119 = arith.constant 2 : i32
      %mul3A_120 = arith.muli %scan3A_31, %mul3A_119 : i32
      %add3A_121 = arith.constant 0 : i32
      %add3A_122 = arith.addi %mul3A_120, %add3A_121 : i32
      %swap3A_123 = arith.index_cast %add3A_122 : i32 to index
      %swap3A_124 = arith.constant 16 : index
      %swap3A_125 = tpu.vector_load %arg7[%swap3A_123, %swap3A_124] {strides = array<i32>} : memref<128x64xf32, #tpu.memory_space<vmem>>, vector<1x16xf32>,
      %swap3A_126 = vector.shape_cast %swap3A_125 : vector<1x16xf32> to vector<16xf32>
      %swap3A_127 = vector.shape_cast %mul3A_118 : vector<16xf32> to vector<1x16xf32>
      tpu.vector_store %arg7[%swap3A_123, %swap3A_124], %swap3A_127 {strides = array<i32>} : memref<128x64xf32, #tpu.memory_space<vmem>>, vector<1x16xf32>,
      %mul3A_128 = arith.constant 5.000000e-03 : f32
      %mul3A_129 = vector.broadcast %mul3A_128 : f32 to vector<16xf32>
      %mul3A_130 = arith.mulf %parallel_loop3A_104#2, %mul3A_129 : vector<16xf32>
      %mul3A_131 = arith.constant 2 : i32
      %mul3A_132 = arith.muli %scan3A_31, %mul3A_131 : i32
      %add3A_133 = arith.constant 0 : i32
      %add3A_134 = arith.addi %mul3A_132, %add3A_133 : i32
      %swap3A_135 = arith.index_cast %add3A_134 : i32 to index
      %swap3A_136 = arith.constant 32 : index
      %swap3A_137 = tpu.vector_load %arg7[%swap3A_135, %swap3A_136] {strides = array<i32>} : memref<128x64xf32, #tpu.memory_space<vmem>>, vector<1x16xf32>,
      %swap3A_138 = vector.shape_cast %swap3A_137 : vector<1x16xf32> to vector<16xf32>
      %swap3A_139 = vector.shape_cast %mul3A_130 : vector<16xf32> to vector<1x16xf32>
      tpu.vector_store %arg7[%swap3A_135, %swap3A_136], %swap3A_139 {strides = array<i32>} : memref<128x64xf32, #tpu.memory_space<vmem>>, vector<1x16xf32>,
      %mul3A_140 = arith.constant 5.000000e-03 : f32
      %mul3A_141 = vector.broadcast %mul3A_140 : f32 to vector<16xf32>
      %mul3A_142 = arith.mulf %parallel_loop3A_104#3, %mul3A_141 : vector<16xf32>
      %mul3A_143 = arith.constant 2 : i32
      %mul3A_144 = arith.muli %scan3A_31, %mul3A_143 : i32
      %add3A_145 = arith.constant 0 : i32
      %add3A_146 = arith.addi %mul3A_144, %add3A_145 : i32
      %swap3A_147 = arith.index_cast %add3A_146 : i32 to index
      %swap3A_148 = arith.constant 48 : index
      %swap3A_149 = tpu.vector_load %arg7[%swap3A_147, %swap3A_148] {strides = array<i32>} : memref<128x64xf32, #tpu.memory_space<vmem>>, vector<1x16xf32>,
      %swap3A_150 = vector.shape_cast %swap3A_149 : vector<1x16xf32> to vector<16xf32>
      %swap3A_151 = vector.shape_cast %mul3A_142 : vector<16xf32> to vector<1x16xf32>
      tpu.vector_store %arg7[%swap3A_147, %swap3A_148], %swap3A_151 {strides = array<i32>} : memref<128x64xf32, #tpu.memory_space<vmem>>, vector<1x16xf32>,
      %lt3A = arith.constant 63 : i32
      %lt3A_152 = arith.cmpi slt, %scan3A_31, %lt3A : i32
      %convert_element_type3A = arith.extui %lt3A_152 : i1 to i32
      %cond3A = arith.constant 0 : i32
      %cond3A_153 = arith.cmpi ne, %convert_element_type3A, %cond3A : i32
      scf.if %cond3A_153 {
        %add3A_253 = arith.constant 1 : i32
        %add3A_254 = arith.addi %scan3A_31, %add3A_253 : i32
        %mul3A_255 = arith.constant 2 : i32
        %mul3A_256 = arith.muli %add3A_254, %mul3A_255 : i32
        %add3A_257 = arith.constant 0 : i32
        %add3A_258 = arith.addi %mul3A_256, %add3A_257 : i32
        %dma_start3A_259 = arith.constant 0 : i32
        %dma_start3A_260 = arith.constant 0 : i32
        %dma_start3A_261 = arith.constant 0 : i32
        %dma_start3A_262 = tpu.memref_slice %arg6[%dma_start3A_259, %dma_start3A_260, %dma_start3A_261] : memref<4x104x64xf32, #tpu.memory_space<vmem>> -> memref<1x104x64xf32, #tpu.memory_space<vmem>>
        %dma_start3A_263 = tpu.memref_squeeze %dma_start3A_262 : memref<1x104x64xf32, #tpu.memory_space<vmem>> -> memref<104x64xf32, #tpu.memory_space<vmem>>
        %dma_start3A_264 = arith.constant 0 : i32
        %dma_start3A_265 = tpu.memref_slice %arg5[%add3A_258, %dma_start3A_264] : memref<128x200xi32, #tpu.memory_space<vmem>> -> memref<1x104xi32, #tpu.memory_space<vmem>>
        %dma_start3A_266 = tpu.memref_squeeze %dma_start3A_265 : memref<1x104xi32, #tpu.memory_space<vmem>> -> memref<104xi32, #tpu.memory_space<vmem>>
        %dma_start3A_267 = arith.constant 0 : i32
        %dma_start3A_268 = arith.constant 0 : i32
        %dma_start3A_269 = tpu.memref_slice %arg3[%dma_start3A_267, %dma_start3A_268] : memref<1000000x64xf32, #tpu.memory_space<hbm>> -> memref<1000000x64xf32, #tpu.memory_space<hbm>>
        tpu.enqueue_indirect_dma source(%dma_start3A_269 : memref<1000000x64xf32, #tpu.memory_space<hbm>>) target(%dma_start3A_263 : memref<104x64xf32, #tpu.memory_space<vmem>>) offsets(%dma_start3A_266 : memref<104xi32, #tpu.memory_space<vmem>>) semaphore(%arg8 : memref<!tpu.dma_semaphore, #tpu.memory_space<semaphore_mem>>)
      } else {
      }
      %mul3A_154 = arith.constant 2 : i32
      %mul3A_155 = arith.muli %scan3A_31, %mul3A_154 : i32
      %add3A_156 = arith.constant 1 : i32
      %add3A_157 = arith.addi %mul3A_155, %add3A_156 : i32
      %dma_wait3A_158 = arith.constant 2 : i32
      %dma_wait3A_159 = arith.constant 0 : i32
      %dma_wait3A_160 = arith.constant 0 : i32
      %dma_wait3A_161 = tpu.memref_slice %arg6[%dma_wait3A_158, %dma_wait3A_159, %dma_wait3A_160] : memref<4x104x64xf32, #tpu.memory_space<vmem>> -> memref<1x104x64xf32, #tpu.memory_space<vmem>>
      %dma_wait3A_162 = tpu.memref_squeeze %dma_wait3A_161 : memref<1x104x64xf32, #tpu.memory_space<vmem>> -> memref<104x64xf32, #tpu.memory_space<vmem>>
      %dma_wait3A_163 = arith.constant 0 : i32
      %dma_wait3A_164 = tpu.memref_slice %arg5[%add3A_157, %dma_wait3A_163] : memref<128x200xi32, #tpu.memory_space<vmem>> -> memref<1x104xi32, #tpu.memory_space<vmem>>
      %dma_wait3A_165 = tpu.memref_squeeze %dma_wait3A_164 : memref<1x104xi32, #tpu.memory_space<vmem>> -> memref<104xi32, #tpu.memory_space<vmem>>
      %dma_wait3A_166 = arith.constant 0 : i32
      %dma_wait3A_167 = arith.constant 0 : i32
      %dma_wait3A_168 = tpu.memref_slice %arg3[%dma_wait3A_166, %dma_wait3A_167] : memref<1000000x64xf32, #tpu.memory_space<hbm>> -> memref<1000000x64xf32, #tpu.memory_space<hbm>>
      tpu.wait_indirect_dma semaphore(%arg10 : memref<!tpu.dma_semaphore, #tpu.memory_space<semaphore_mem>>) src(%dma_wait3A_168 : memref<1000000x64xf32, #tpu.memory_space<hbm>>) dst(%dma_wait3A_162 : memref<104x64xf32, #tpu.memory_space<vmem>>)
      %broadcast_in_dim3A_169 = arith.constant 0.000000e+00 : f32
      %broadcast_in_dim3A_170 = vector.broadcast %broadcast_in_dim3A_169 : f32 to vector<16xf32>
      %broadcast_in_dim3A_171 = arith.constant 0.000000e+00 : f32
      %broadcast_in_dim3A_172 = vector.broadcast %broadcast_in_dim3A_171 : f32 to vector<16xf32>
      %broadcast_in_dim3A_173 = arith.constant 0.000000e+00 : f32
      %broadcast_in_dim3A_174 = vector.broadcast %broadcast_in_dim3A_173 : f32 to vector<16xf32>
      %broadcast_in_dim3A_175 = arith.constant 0.000000e+00 : f32
      %broadcast_in_dim3A_176 = vector.broadcast %broadcast_in_dim3A_175 : f32 to vector<16xf32>
      %parallel_loop3A_177 = arith.constant 0 : i32
      %parallel_loop3A_178 = arith.constant 104 : i32
      %parallel_loop3A_179 = arith.constant 1 : i32
      %parallel_loop3A_180:4 = scf.for %parallel_loop3A_253 = %parallel_loop3A_177 to %parallel_loop3A_178 step %parallel_loop3A_179 iter_args(%parallel_loop3A_254 = %broadcast_in_dim3A_170, %parallel_loop3A_255 = %broadcast_in_dim3A_172, %parallel_loop3A_256 = %broadcast_in_dim3A_174, %parallel_loop3A_257 = %broadcast_in_dim3A_176) -> (vector<16xf32>, vector<16xf32>, vector<16xf32>, vector<16xf32>)  : i32 {
        %parallel_loop3A_258 = arith.constant 2 : i32
        %parallel_loop3A_259 = arith.index_cast %parallel_loop3A_258 : i32 to index
        %parallel_loop3A_260 = arith.index_cast %parallel_loop3A_253 : i32 to index
        %parallel_loop3A_261 = arith.constant 0 : index
        %parallel_loop3A_262 = tpu.vector_load %arg6[%parallel_loop3A_259, %parallel_loop3A_260, %parallel_loop3A_261] {strides = array<i32>} : memref<4x104x64xf32, #tpu.memory_space<vmem>>, vector<1x1x16xf32>,
        %parallel_loop3A_263 = vector.shape_cast %parallel_loop3A_262 : vector<1x1x16xf32> to vector<16xf32>
        %parallel_loop3A_264 = arith.addf %parallel_loop3A_254, %parallel_loop3A_263 : vector<16xf32>
        %parallel_loop3A_265 = arith.constant 2 : i32
        %parallel_loop3A_266 = arith.index_cast %parallel_loop3A_265 : i32 to index
        %parallel_loop3A_267 = arith.index_cast %parallel_loop3A_253 : i32 to index
        %parallel_loop3A_268 = arith.constant 16 : index
        %parallel_loop3A_269 = tpu.vector_load %arg6[%parallel_loop3A_266, %parallel_loop3A_267, %parallel_loop3A_268] {strides = array<i32>} : memref<4x104x64xf32, #tpu.memory_space<vmem>>, vector<1x1x16xf32>,
        %parallel_loop3A_270 = vector.shape_cast %parallel_loop3A_269 : vector<1x1x16xf32> to vector<16xf32>
        %parallel_loop3A_271 = arith.addf %parallel_loop3A_255, %parallel_loop3A_270 : vector<16xf32>
        %parallel_loop3A_272 = arith.constant 2 : i32
        %parallel_loop3A_273 = arith.index_cast %parallel_loop3A_272 : i32 to index
        %parallel_loop3A_274 = arith.index_cast %parallel_loop3A_253 : i32 to index
        %parallel_loop3A_275 = arith.constant 32 : index
        %parallel_loop3A_276 = tpu.vector_load %arg6[%parallel_loop3A_273, %parallel_loop3A_274, %parallel_loop3A_275] {strides = array<i32>} : memref<4x104x64xf32, #tpu.memory_space<vmem>>, vector<1x1x16xf32>,
        %parallel_loop3A_277 = vector.shape_cast %parallel_loop3A_276 : vector<1x1x16xf32> to vector<16xf32>
        %parallel_loop3A_278 = arith.addf %parallel_loop3A_256, %parallel_loop3A_277 : vector<16xf32>
        %parallel_loop3A_279 = arith.constant 2 : i32
        %parallel_loop3A_280 = arith.index_cast %parallel_loop3A_279 : i32 to index
        %parallel_loop3A_281 = arith.index_cast %parallel_loop3A_253 : i32 to index
        %parallel_loop3A_282 = arith.constant 48 : index
        %parallel_loop3A_283 = tpu.vector_load %arg6[%parallel_loop3A_280, %parallel_loop3A_281, %parallel_loop3A_282] {strides = array<i32>} : memref<4x104x64xf32, #tpu.memory_space<vmem>>, vector<1x1x16xf32>,
        %parallel_loop3A_284 = vector.shape_cast %parallel_loop3A_283 : vector<1x1x16xf32> to vector<16xf32>
        %parallel_loop3A_285 = arith.addf %parallel_loop3A_257, %parallel_loop3A_284 : vector<16xf32>
        scf.yield %parallel_loop3A_264, %parallel_loop3A_271, %parallel_loop3A_278, %parallel_loop3A_285 : vector<16xf32>, vector<16xf32>, vector<16xf32>, vector<16xf32>
      } {sc.loop_unroll_factor = 4 : i64, sc.parallel_access}
      %lt3A_181 = arith.constant 63 : i32
      %lt3A_182 = arith.cmpi slt, %scan3A_31, %lt3A_181 : i32
      %convert_element_type3A_183 = arith.extui %lt3A_182 : i1 to i32
      %cond3A_184 = arith.constant 0 : i32
      %cond3A_185 = arith.cmpi ne, %convert_element_type3A_183, %cond3A_184 : i32
      scf.if %cond3A_185 {
        %add3A_253 = arith.constant 1 : i32
        %add3A_254 = arith.addi %scan3A_31, %add3A_253 : i32
        %mul3A_255 = arith.constant 2 : i32
        %mul3A_256 = arith.muli %add3A_254, %mul3A_255 : i32
        %add3A_257 = arith.constant 0 : i32
        %add3A_258 = arith.addi %mul3A_256, %add3A_257 : i32
        %dma_start3A_259 = arith.constant 1 : i32
        %dma_start3A_260 = arith.constant 0 : i32
        %dma_start3A_261 = arith.constant 0 : i32
        %dma_start3A_262 = tpu.memref_slice %arg6[%dma_start3A_259, %dma_start3A_260, %dma_start3A_261] : memref<4x104x64xf32, #tpu.memory_space<vmem>> -> memref<1x96x64xf32, #tpu.memory_space<vmem>>
        %dma_start3A_263 = tpu.memref_squeeze %dma_start3A_262 : memref<1x96x64xf32, #tpu.memory_space<vmem>> -> memref<96x64xf32, #tpu.memory_space<vmem>>
        %dma_start3A_264 = arith.constant 104 : i32
        %dma_start3A_265 = tpu.memref_slice %arg5[%add3A_258, %dma_start3A_264] : memref<128x200xi32, #tpu.memory_space<vmem>> -> memref<1x96xi32, #tpu.memory_space<vmem>>
        %dma_start3A_266 = tpu.memref_squeeze %dma_start3A_265 : memref<1x96xi32, #tpu.memory_space<vmem>> -> memref<96xi32, #tpu.memory_space<vmem>>
        %dma_start3A_267 = arith.constant 0 : i32
        %dma_start3A_268 = arith.constant 0 : i32
        %dma_start3A_269 = tpu.memref_slice %arg3[%dma_start3A_267, %dma_start3A_268] : memref<1000000x64xf32, #tpu.memory_space<hbm>> -> memref<1000000x64xf32, #tpu.memory_space<hbm>>
        tpu.enqueue_indirect_dma source(%dma_start3A_269 : memref<1000000x64xf32, #tpu.memory_space<hbm>>) target(%dma_start3A_263 : memref<96x64xf32, #tpu.memory_space<vmem>>) offsets(%dma_start3A_266 : memref<96xi32, #tpu.memory_space<vmem>>) semaphore(%arg9 : memref<!tpu.dma_semaphore, #tpu.memory_space<semaphore_mem>>)
      } else {
      }
      %mul3A_186 = arith.constant 2 : i32
      %mul3A_187 = arith.muli %scan3A_31, %mul3A_186 : i32
      %add3A_188 = arith.constant 1 : i32
      %add3A_189 = arith.addi %mul3A_187, %add3A_188 : i32
      %dma_wait3A_190 = arith.constant 3 : i32
      %dma_wait3A_191 = arith.constant 0 : i32
      %dma_wait3A_192 = arith.constant 0 : i32
      %dma_wait3A_193 = tpu.memref_slice %arg6[%dma_wait3A_190, %dma_wait3A_191, %dma_wait3A_192] : memref<4x104x64xf32, #tpu.memory_space<vmem>> -> memref<1x96x64xf32, #tpu.memory_space<vmem>>
      %dma_wait3A_194 = tpu.memref_squeeze %dma_wait3A_193 : memref<1x96x64xf32, #tpu.memory_space<vmem>> -> memref<96x64xf32, #tpu.memory_space<vmem>>
      %dma_wait3A_195 = arith.constant 104 : i32
      %dma_wait3A_196 = tpu.memref_slice %arg5[%add3A_189, %dma_wait3A_195] : memref<128x200xi32, #tpu.memory_space<vmem>> -> memref<1x96xi32, #tpu.memory_space<vmem>>
      %dma_wait3A_197 = tpu.memref_squeeze %dma_wait3A_196 : memref<1x96xi32, #tpu.memory_space<vmem>> -> memref<96xi32, #tpu.memory_space<vmem>>
      %dma_wait3A_198 = arith.constant 0 : i32
      %dma_wait3A_199 = arith.constant 0 : i32
      %dma_wait3A_200 = tpu.memref_slice %arg3[%dma_wait3A_198, %dma_wait3A_199] : memref<1000000x64xf32, #tpu.memory_space<hbm>> -> memref<1000000x64xf32, #tpu.memory_space<hbm>>
      tpu.wait_indirect_dma semaphore(%arg11 : memref<!tpu.dma_semaphore, #tpu.memory_space<semaphore_mem>>) src(%dma_wait3A_200 : memref<1000000x64xf32, #tpu.memory_space<hbm>>) dst(%dma_wait3A_194 : memref<96x64xf32, #tpu.memory_space<vmem>>)
      %parallel_loop3A_201 = arith.constant 0 : i32
      %parallel_loop3A_202 = arith.constant 96 : i32
      %parallel_loop3A_203 = arith.constant 1 : i32
      %parallel_loop3A_204:4 = scf.for %parallel_loop3A_253 = %parallel_loop3A_201 to %parallel_loop3A_202 step %parallel_loop3A_203 iter_args(%parallel_loop3A_254 = %parallel_loop3A_180#0, %parallel_loop3A_255 = %parallel_loop3A_180#1, %parallel_loop3A_256 = %parallel_loop3A_180#2, %parallel_loop3A_257 = %parallel_loop3A_180#3) -> (vector<16xf32>, vector<16xf32>, vector<16xf32>, vector<16xf32>)  : i32 {
        %parallel_loop3A_258 = arith.constant 3 : i32
        %parallel_loop3A_259 = arith.index_cast %parallel_loop3A_258 : i32 to index
        %parallel_loop3A_260 = arith.index_cast %parallel_loop3A_253 : i32 to index
        %parallel_loop3A_261 = arith.constant 0 : index
        %parallel_loop3A_262 = tpu.vector_load %arg6[%parallel_loop3A_259, %parallel_loop3A_260, %parallel_loop3A_261] {strides = array<i32>} : memref<4x104x64xf32, #tpu.memory_space<vmem>>, vector<1x1x16xf32>,
        %parallel_loop3A_263 = vector.shape_cast %parallel_loop3A_262 : vector<1x1x16xf32> to vector<16xf32>
        %parallel_loop3A_264 = arith.addf %parallel_loop3A_254, %parallel_loop3A_263 : vector<16xf32>
        %parallel_loop3A_265 = arith.constant 3 : i32
        %parallel_loop3A_266 = arith.index_cast %parallel_loop3A_265 : i32 to index
        %parallel_loop3A_267 = arith.index_cast %parallel_loop3A_253 : i32 to index
        %parallel_loop3A_268 = arith.constant 16 : index
        %parallel_loop3A_269 = tpu.vector_load %arg6[%parallel_loop3A_266, %parallel_loop3A_267, %parallel_loop3A_268] {strides = array<i32>} : memref<4x104x64xf32, #tpu.memory_space<vmem>>, vector<1x1x16xf32>,
        %parallel_loop3A_270 = vector.shape_cast %parallel_loop3A_269 : vector<1x1x16xf32> to vector<16xf32>
        %parallel_loop3A_271 = arith.addf %parallel_loop3A_255, %parallel_loop3A_270 : vector<16xf32>
        %parallel_loop3A_272 = arith.constant 3 : i32
        %parallel_loop3A_273 = arith.index_cast %parallel_loop3A_272 : i32 to index
        %parallel_loop3A_274 = arith.index_cast %parallel_loop3A_253 : i32 to index
        %parallel_loop3A_275 = arith.constant 32 : index
        %parallel_loop3A_276 = tpu.vector_load %arg6[%parallel_loop3A_273, %parallel_loop3A_274, %parallel_loop3A_275] {strides = array<i32>} : memref<4x104x64xf32, #tpu.memory_space<vmem>>, vector<1x1x16xf32>,
        %parallel_loop3A_277 = vector.shape_cast %parallel_loop3A_276 : vector<1x1x16xf32> to vector<16xf32>
        %parallel_loop3A_278 = arith.addf %parallel_loop3A_256, %parallel_loop3A_277 : vector<16xf32>
        %parallel_loop3A_279 = arith.constant 3 : i32
        %parallel_loop3A_280 = arith.index_cast %parallel_loop3A_279 : i32 to index
        %parallel_loop3A_281 = arith.index_cast %parallel_loop3A_253 : i32 to index
        %parallel_loop3A_282 = arith.constant 48 : index
        %parallel_loop3A_283 = tpu.vector_load %arg6[%parallel_loop3A_280, %parallel_loop3A_281, %parallel_loop3A_282] {strides = array<i32>} : memref<4x104x64xf32, #tpu.memory_space<vmem>>, vector<1x1x16xf32>,
        %parallel_loop3A_284 = vector.shape_cast %parallel_loop3A_283 : vector<1x1x16xf32> to vector<16xf32>
        %parallel_loop3A_285 = arith.addf %parallel_loop3A_257, %parallel_loop3A_284 : vector<16xf32>
        scf.yield %parallel_loop3A_264, %parallel_loop3A_271, %parallel_loop3A_278, %parallel_loop3A_285 : vector<16xf32>, vector<16xf32>, vector<16xf32>, vector<16xf32>
      } {sc.loop_unroll_factor = 4 : i64, sc.parallel_access}
      %mul3A_205 = arith.constant 5.000000e-03 : f32
      %mul3A_206 = vector.broadcast %mul3A_205 : f32 to vector<16xf32>
      %mul3A_207 = arith.mulf %parallel_loop3A_204#0, %mul3A_206 : vector<16xf32>
      %mul3A_208 = arith.constant 2 : i32
      %mul3A_209 = arith.muli %scan3A_31, %mul3A_208 : i32
      %add3A_210 = arith.constant 1 : i32
      %add3A_211 = arith.addi %mul3A_209, %add3A_210 : i32
      %swap3A_212 = arith.index_cast %add3A_211 : i32 to index
      %swap3A_213 = arith.constant 0 : index
      %swap3A_214 = tpu.vector_load %arg7[%swap3A_212, %swap3A_213] {strides = array<i32>} : memref<128x64xf32, #tpu.memory_space<vmem>>, vector<1x16xf32>,
      %swap3A_215 = vector.shape_cast %swap3A_214 : vector<1x16xf32> to vector<16xf32>
      %swap3A_216 = vector.shape_cast %mul3A_207 : vector<16xf32> to vector<1x16xf32>
      tpu.vector_store %arg7[%swap3A_212, %swap3A_213], %swap3A_216 {strides = array<i32>} : memref<128x64xf32, #tpu.memory_space<vmem>>, vector<1x16xf32>,
      %mul3A_217 = arith.constant 5.000000e-03 : f32
      %mul3A_218 = vector.broadcast %mul3A_217 : f32 to vector<16xf32>
      %mul3A_219 = arith.mulf %parallel_loop3A_204#1, %mul3A_218 : vector<16xf32>
      %mul3A_220 = arith.constant 2 : i32
      %mul3A_221 = arith.muli %scan3A_31, %mul3A_220 : i32
      %add3A_222 = arith.constant 1 : i32
      %add3A_223 = arith.addi %mul3A_221, %add3A_222 : i32
      %swap3A_224 = arith.index_cast %add3A_223 : i32 to index
      %swap3A_225 = arith.constant 16 : index
      %swap3A_226 = tpu.vector_load %arg7[%swap3A_224, %swap3A_225] {strides = array<i32>} : memref<128x64xf32, #tpu.memory_space<vmem>>, vector<1x16xf32>,
      %swap3A_227 = vector.shape_cast %swap3A_226 : vector<1x16xf32> to vector<16xf32>
      %swap3A_228 = vector.shape_cast %mul3A_219 : vector<16xf32> to vector<1x16xf32>
      tpu.vector_store %arg7[%swap3A_224, %swap3A_225], %swap3A_228 {strides = array<i32>} : memref<128x64xf32, #tpu.memory_space<vmem>>, vector<1x16xf32>,
      %mul3A_229 = arith.constant 5.000000e-03 : f32
      %mul3A_230 = vector.broadcast %mul3A_229 : f32 to vector<16xf32>
      %mul3A_231 = arith.mulf %parallel_loop3A_204#2, %mul3A_230 : vector<16xf32>
      %mul3A_232 = arith.constant 2 : i32
      %mul3A_233 = arith.muli %scan3A_31, %mul3A_232 : i32
      %add3A_234 = arith.constant 1 : i32
      %add3A_235 = arith.addi %mul3A_233, %add3A_234 : i32
      %swap3A_236 = arith.index_cast %add3A_235 : i32 to index
      %swap3A_237 = arith.constant 32 : index
      %swap3A_238 = tpu.vector_load %arg7[%swap3A_236, %swap3A_237] {strides = array<i32>} : memref<128x64xf32, #tpu.memory_space<vmem>>, vector<1x16xf32>,
      %swap3A_239 = vector.shape_cast %swap3A_238 : vector<1x16xf32> to vector<16xf32>
      %swap3A_240 = vector.shape_cast %mul3A_231 : vector<16xf32> to vector<1x16xf32>
      tpu.vector_store %arg7[%swap3A_236, %swap3A_237], %swap3A_240 {strides = array<i32>} : memref<128x64xf32, #tpu.memory_space<vmem>>, vector<1x16xf32>,
      %mul3A_241 = arith.constant 5.000000e-03 : f32
      %mul3A_242 = vector.broadcast %mul3A_241 : f32 to vector<16xf32>
      %mul3A_243 = arith.mulf %parallel_loop3A_204#3, %mul3A_242 : vector<16xf32>
      %mul3A_244 = arith.constant 2 : i32
      %mul3A_245 = arith.muli %scan3A_31, %mul3A_244 : i32
      %add3A_246 = arith.constant 1 : i32
      %add3A_247 = arith.addi %mul3A_245, %add3A_246 : i32
      %swap3A_248 = arith.index_cast %add3A_247 : i32 to index
      %swap3A_249 = arith.constant 48 : index
      %swap3A_250 = tpu.vector_load %arg7[%swap3A_248, %swap3A_249] {strides = array<i32>} : memref<128x64xf32, #tpu.memory_space<vmem>>, vector<1x16xf32>,
      %swap3A_251 = vector.shape_cast %swap3A_250 : vector<1x16xf32> to vector<16xf32>
      %swap3A_252 = vector.shape_cast %mul3A_243 : vector<16xf32> to vector<1x16xf32>
      tpu.vector_store %arg7[%swap3A_248, %swap3A_249], %swap3A_252 {strides = array<i32>} : memref<128x64xf32, #tpu.memory_space<vmem>>, vector<1x16xf32>,
    }
    %scan3A_30 = arith.constant 64 : i32
    "tpu.region"() ({
      %run_scoped3A = tpu.sem_alloc : memref<!tpu.dma_semaphore, #tpu.memory_space<semaphore_mem>>
      %dma_start3A_31 = arith.constant 0 : i32
      %dma_start3A_32 = tpu.memref_slice %arg4[%mul3A_2, %dma_start3A_31] : memref<4096x64xf32, #tpu.memory_space<hbm>> -> memref<128x64xf32, #tpu.memory_space<hbm>>
      %dma_start3A_33 = arith.constant 0 : i32
      %dma_start3A_34 = tpu.memref_slice %arg4[%mul3A_2, %dma_start3A_33] : memref<4096x64xf32, #tpu.memory_space<hbm>> -> memref<128x64xf32, #tpu.memory_space<hbm>>
      tpu.enqueue_dma source(%arg7 : memref<128x64xf32, #tpu.memory_space<vmem>>) target(%dma_start3A_34 : memref<128x64xf32, #tpu.memory_space<hbm>>) target_semaphore(%run_scoped3A : memref<!tpu.dma_semaphore, #tpu.memory_space<semaphore_mem>>)
      %dma_wait3A = arith.constant 0 : i32
      %dma_wait3A_35 = tpu.memref_slice %arg4[%mul3A_2, %dma_wait3A] : memref<4096x64xf32, #tpu.memory_space<hbm>> -> memref<128x64xf32, #tpu.memory_space<hbm>>
      %dma_wait3A_36 = arith.constant 0 : i32
      %dma_wait3A_37 = tpu.memref_slice %arg4[%mul3A_2, %dma_wait3A_36] : memref<4096x64xf32, #tpu.memory_space<hbm>> -> memref<128x64xf32, #tpu.memory_space<hbm>>
      tpu.wait_dma2 semaphore(%run_scoped3A : memref<!tpu.dma_semaphore, #tpu.memory_space<semaphore_mem>>) src(%arg7 : memref<128x64xf32, #tpu.memory_space<vmem>>) dst(%dma_wait3A_37 : memref<128x64xf32, #tpu.memory_space<hbm>>)
      tpu.yield
    }) : () -> ()
    return
  }
}

#map = affine_map<(d0, d1) -> (0, 0)>
module attributes {stable_mosaic.version = 14 : i64} {
  func.func @_pool_body(%arg0: i32, %arg1: i32, %arg2: memref<4096x200xi32, #tpu.memory_space<hbm>>, %arg3: memref<100000x64xf32, #tpu.memory_space<hbm>>, %arg4: memref<4096x64xf32, #tpu.memory_space<hbm>>, %arg5: memref<128x200xi32, #tpu.memory_space<vmem>>, %arg6: memref<4x104x64xf32, #tpu.memory_space<vmem>>, %arg7: memref<128x64xf32, #tpu.memory_space<vmem>>, %arg8: memref<!tpu.dma_semaphore, #tpu.memory_space<semaphore_mem>>, %arg9: memref<!tpu.dma_semaphore, #tpu.memory_space<semaphore_mem>>, %arg10: memref<!tpu.dma_semaphore, #tpu.memory_space<semaphore_mem>>, %arg11: memref<!tpu.dma_semaphore, #tpu.memory_space<semaphore_mem>>) attributes {dimension_semantics = [#tpu.dimension_semantics<core_parallel>, #tpu.dimension_semantics<subcore_parallel>], iteration_bounds = array<i64: 2, 16>, scalar_prefetch = 0 : i64, scratch_operands = 7 : i64, tpu.core_type = #tpu.core_type<sc_vector_subcore>, window_params = [{transform_indices = #map}, {transform_indices = #map}, {transform_indices = #map}]} {
    %mul3A = arith.constant 2 : i32
    %mul3A_0 = arith.muli %arg1, %mul3A : i32
    %add3A = arith.addi %mul3A_0, %arg0 : i32
    %mul3A_1 = arith.constant 128 : i32
    %mul3A_2 = arith.muli %add3A, %mul3A_1 : i32
    "tpu.region"() ({
      %run_scoped3A = tpu.sem_alloc : memref<!tpu.dma_semaphore, #tpu.memory_space<semaphore_mem>>
      %dma_start3A_31 = arith.constant 0 : i32
      %dma_start3A_32 = tpu.memref_slice %arg2[%mul3A_2, %dma_start3A_31] : memref<4096x200xi32, #tpu.memory_space<hbm>> -> memref<128x200xi32, #tpu.memory_space<hbm>>
      %dma_start3A_33 = arith.constant 0 : i32
      %dma_start3A_34 = tpu.memref_slice %arg2[%mul3A_2, %dma_start3A_33] : memref<4096x200xi32, #tpu.memory_space<hbm>> -> memref<128x200xi32, #tpu.memory_space<hbm>>
      tpu.enqueue_dma source(%dma_start3A_34 : memref<128x200xi32, #tpu.memory_space<hbm>>) target(%arg5 : memref<128x200xi32, #tpu.memory_space<vmem>>) target_semaphore(%run_scoped3A : memref<!tpu.dma_semaphore, #tpu.memory_space<semaphore_mem>>)
      %dma_wait3A = arith.constant 0 : i32
      %dma_wait3A_35 = tpu.memref_slice %arg2[%mul3A_2, %dma_wait3A] : memref<4096x200xi32, #tpu.memory_space<hbm>> -> memref<128x200xi32, #tpu.memory_space<hbm>>
      %dma_wait3A_36 = arith.constant 0 : i32
      %dma_wait3A_37 = tpu.memref_slice %arg2[%mul3A_2, %dma_wait3A_36] : memref<4096x200xi32, #tpu.memory_space<hbm>> -> memref<128x200xi32, #tpu.memory_space<hbm>>
      tpu.wait_dma2 semaphore(%run_scoped3A : memref<!tpu.dma_semaphore, #tpu.memory_space<semaphore_mem>>) src(%dma_wait3A_37 : memref<128x200xi32, #tpu.memory_space<hbm>>) dst(%arg5 : memref<128x200xi32, #tpu.memory_space<vmem>>)
      tpu.yield
    }) : () -> ()
    %dma_start3A = arith.constant 0 : i32
    %dma_start3A_3 = arith.constant 0 : i32
    %dma_start3A_4 = arith.constant 0 : i32
    %dma_start3A_5 = arith.constant 0 : i32
    %dma_start3A_6 = tpu.memref_slice %arg6[%dma_start3A_3, %dma_start3A_4, %dma_start3A_5] : memref<4x104x64xf32, #tpu.memory_space<vmem>> -> memref<1x104x64xf32, #tpu.memory_space<vmem>>
    %dma_start3A_7 = tpu.memref_squeeze %dma_start3A_6 : memref<1x104x64xf32, #tpu.memory_space<vmem>> -> memref<104x64xf32, #tpu.memory_space<vmem>>
    %dma_start3A_8 = arith.constant 0 : i32
    %dma_start3A_9 = tpu.memref_slice %arg5[%dma_start3A, %dma_start3A_8] : memref<128x200xi32, #tpu.memory_space<vmem>> -> memref<1x104xi32, #tpu.memory_space<vmem>>
    %dma_start3A_10 = tpu.memref_squeeze %dma_start3A_9 : memref<1x104xi32, #tpu.memory_space<vmem>> -> memref<104xi32, #tpu.memory_space<vmem>>
    %dma_start3A_11 = arith.constant 0 : i32
    %dma_start3A_12 = arith.constant 0 : i32
    %dma_start3A_13 = tpu.memref_slice %arg3[%dma_start3A_11, %dma_start3A_12] : memref<100000x64xf32, #tpu.memory_space<hbm>> -> memref<100000x64xf32, #tpu.memory_space<hbm>>
    tpu.enqueue_indirect_dma source(%dma_start3A_13 : memref<100000x64xf32, #tpu.memory_space<hbm>>) target(%dma_start3A_7 : memref<104x64xf32, #tpu.memory_space<vmem>>) offsets(%dma_start3A_10 : memref<104xi32, #tpu.memory_space<vmem>>) semaphore(%arg8 : memref<!tpu.dma_semaphore, #tpu.memory_space<semaphore_mem>>)
    %dma_start3A_14 = arith.constant 0 : i32
    %dma_start3A_15 = arith.constant 1 : i32
    %dma_start3A_16 = arith.constant 0 : i32
    %dma_start3A_17 = arith.constant 0 : i32
    %dma_start3A_18 = tpu.memref_slice %arg6[%dma_start3A_15, %dma_start3A_16, %dma_start3A_17] : memref<4x104x64xf32, #tpu.memory_space<vmem>> -> memref<1x96x64xf32, #tpu.memory_space<vmem>>
    %dma_start3A_19 = tpu.memref_squeeze %dma_start3A_18 : memref<1x96x64xf32, #tpu.memory_space<vmem>> -> memref<96x64xf32, #tpu.memory_space<vmem>>
    %dma_start3A_20 = arith.constant 104 : i32
    %dma_start3A_21 = tpu.memref_slice %arg5[%dma_start3A_14, %dma_start3A_20] : memref<128x200xi32, #tpu.memory_space<vmem>> -> memref<1x96xi32, #tpu.memory_space<vmem>>
    %dma_start3A_22 = tpu.memref_squeeze %dma_start3A_21 : memref<1x96xi32, #tpu.memory_space<vmem>> -> memref<96xi32, #tpu.memory_space<vmem>>
    %dma_start3A_23 = arith.constant 0 : i32
    %dma_start3A_24 = arith.constant 0 : i32
    %dma_start3A_25 = tpu.memref_slice %arg3[%dma_start3A_23, %dma_start3A_24] : memref<100000x64xf32, #tpu.memory_space<hbm>> -> memref<100000x64xf32, #tpu.memory_space<hbm>>
    tpu.enqueue_indirect_dma source(%dma_start3A_25 : memref<100000x64xf32, #tpu.memory_space<hbm>>) target(%dma_start3A_19 : memref<96x64xf32, #tpu.memory_space<vmem>>) offsets(%dma_start3A_22 : memref<96xi32, #tpu.memory_space<vmem>>) semaphore(%arg9 : memref<!tpu.dma_semaphore, #tpu.memory_space<semaphore_mem>>)
    %scan3A = arith.constant 0 : i32
    %scan3A_26 = arith.constant 0 : i32
    %scan3A_27 = arith.constant 64 : i32
    %scan3A_28 = arith.addi %scan3A_26, %scan3A_27 : i32
    %scan3A_29 = arith.constant 1 : i32
    scf.for %scan3A_31 = %scan3A_26 to %scan3A_28 step %scan3A_29  : i32 {
      %mul3A_32 = arith.constant 2 : i32
      %mul3A_33 = arith.muli %scan3A_31, %mul3A_32 : i32
      %add3A_34 = arith.constant 1 : i32
      %add3A_35 = arith.addi %mul3A_33, %add3A_34 : i32
      %dma_start3A_36 = arith.constant 2 : i32
      %dma_start3A_37 = arith.constant 0 : i32
      %dma_start3A_38 = arith.constant 0 : i32
      %dma_start3A_39 = tpu.memref_slice %arg6[%dma_start3A_36, %dma_start3A_37, %dma_start3A_38] : memref<4x104x64xf32, #tpu.memory_space<vmem>> -> memref<1x104x64xf32, #tpu.memory_space<vmem>>
      %dma_start3A_40 = tpu.memref_squeeze %dma_start3A_39 : memref<1x104x64xf32, #tpu.memory_space<vmem>> -> memref<104x64xf32, #tpu.memory_space<vmem>>
      %dma_start3A_41 = arith.constant 0 : i32
      %dma_start3A_42 = tpu.memref_slice %arg5[%add3A_35, %dma_start3A_41] : memref<128x200xi32, #tpu.memory_space<vmem>> -> memref<1x104xi32, #tpu.memory_space<vmem>>
      %dma_start3A_43 = tpu.memref_squeeze %dma_start3A_42 : memref<1x104xi32, #tpu.memory_space<vmem>> -> memref<104xi32, #tpu.memory_space<vmem>>
      %dma_start3A_44 = arith.constant 0 : i32
      %dma_start3A_45 = arith.constant 0 : i32
      %dma_start3A_46 = tpu.memref_slice %arg3[%dma_start3A_44, %dma_start3A_45] : memref<100000x64xf32, #tpu.memory_space<hbm>> -> memref<100000x64xf32, #tpu.memory_space<hbm>>
      tpu.enqueue_indirect_dma source(%dma_start3A_46 : memref<100000x64xf32, #tpu.memory_space<hbm>>) target(%dma_start3A_40 : memref<104x64xf32, #tpu.memory_space<vmem>>) offsets(%dma_start3A_43 : memref<104xi32, #tpu.memory_space<vmem>>) semaphore(%arg10 : memref<!tpu.dma_semaphore, #tpu.memory_space<semaphore_mem>>)
      %mul3A_47 = arith.constant 2 : i32
      %mul3A_48 = arith.muli %scan3A_31, %mul3A_47 : i32
      %add3A_49 = arith.constant 0 : i32
      %add3A_50 = arith.addi %mul3A_48, %add3A_49 : i32
      %dma_wait3A = arith.constant 0 : i32
      %dma_wait3A_51 = arith.constant 0 : i32
      %dma_wait3A_52 = arith.constant 0 : i32
      %dma_wait3A_53 = tpu.memref_slice %arg6[%dma_wait3A, %dma_wait3A_51, %dma_wait3A_52] : memref<4x104x64xf32, #tpu.memory_space<vmem>> -> memref<1x104x64xf32, #tpu.memory_space<vmem>>
      %dma_wait3A_54 = tpu.memref_squeeze %dma_wait3A_53 : memref<1x104x64xf32, #tpu.memory_space<vmem>> -> memref<104x64xf32, #tpu.memory_space<vmem>>
      %dma_wait3A_55 = arith.constant 0 : i32
      %dma_wait3A_56 = tpu.memref_slice %arg5[%add3A_50, %dma_wait3A_55] : memref<128x200xi32, #tpu.memory_space<vmem>> -> memref<1x104xi32, #tpu.memory_space<vmem>>
      %dma_wait3A_57 = tpu.memref_squeeze %dma_wait3A_56 : memref<1x104xi32, #tpu.memory_space<vmem>> -> memref<104xi32, #tpu.memory_space<vmem>>
      %dma_wait3A_58 = arith.constant 0 : i32
      %dma_wait3A_59 = arith.constant 0 : i32
      %dma_wait3A_60 = tpu.memref_slice %arg3[%dma_wait3A_58, %dma_wait3A_59] : memref<100000x64xf32, #tpu.memory_space<hbm>> -> memref<100000x64xf32, #tpu.memory_space<hbm>>
      tpu.wait_indirect_dma semaphore(%arg8 : memref<!tpu.dma_semaphore, #tpu.memory_space<semaphore_mem>>) src(%dma_wait3A_60 : memref<100000x64xf32, #tpu.memory_space<hbm>>) dst(%dma_wait3A_54 : memref<104x64xf32, #tpu.memory_space<vmem>>)
      %broadcast_in_dim3A = arith.constant 0.000000e+00 : f32
      %broadcast_in_dim3A_61 = vector.broadcast %broadcast_in_dim3A : f32 to vector<16xf32>
      %broadcast_in_dim3A_62 = arith.constant 0.000000e+00 : f32
      %broadcast_in_dim3A_63 = vector.broadcast %broadcast_in_dim3A_62 : f32 to vector<16xf32>
      %broadcast_in_dim3A_64 = arith.constant 0.000000e+00 : f32
      %broadcast_in_dim3A_65 = vector.broadcast %broadcast_in_dim3A_64 : f32 to vector<16xf32>
      %broadcast_in_dim3A_66 = arith.constant 0.000000e+00 : f32
      %broadcast_in_dim3A_67 = vector.broadcast %broadcast_in_dim3A_66 : f32 to vector<16xf32>
      %parallel_loop3A = arith.constant 0 : i32
      %parallel_loop3A_68 = arith.constant 104 : i32
      %parallel_loop3A_69 = arith.constant 1 : i32
      %parallel_loop3A_70:4 = scf.for %parallel_loop3A_253 = %parallel_loop3A to %parallel_loop3A_68 step %parallel_loop3A_69 iter_args(%parallel_loop3A_254 = %broadcast_in_dim3A_61, %parallel_loop3A_255 = %broadcast_in_dim3A_63, %parallel_loop3A_256 = %broadcast_in_dim3A_65, %parallel_loop3A_257 = %broadcast_in_dim3A_67) -> (vector<16xf32>, vector<16xf32>, vector<16xf32>, vector<16xf32>)  : i32 {
        %parallel_loop3A_258 = arith.constant 0 : i32
        %parallel_loop3A_259 = arith.index_cast %parallel_loop3A_258 : i32 to index
        %parallel_loop3A_260 = arith.index_cast %parallel_loop3A_253 : i32 to index
        %parallel_loop3A_261 = arith.constant 0 : index
        %parallel_loop3A_262 = tpu.vector_load %arg6[%parallel_loop3A_259, %parallel_loop3A_260, %parallel_loop3A_261] {strides = array<i32>} : memref<4x104x64xf32, #tpu.memory_space<vmem>>, vector<1x1x16xf32>,
        %parallel_loop3A_263 = vector.shape_cast %parallel_loop3A_262 : vector<1x1x16xf32> to vector<16xf32>
        %parallel_loop3A_264 = arith.addf %parallel_loop3A_254, %parallel_loop3A_263 : vector<16xf32>
        %parallel_loop3A_265 = arith.constant 0 : i32
        %parallel_loop3A_266 = arith.index_cast %parallel_loop3A_265 : i32 to index
        %parallel_loop3A_267 = arith.index_cast %parallel_loop3A_253 : i32 to index
        %parallel_loop3A_268 = arith.constant 16 : index
        %parallel_loop3A_269 = tpu.vector_load %arg6[%parallel_loop3A_266, %parallel_loop3A_267, %parallel_loop3A_268] {strides = array<i32>} : memref<4x104x64xf32, #tpu.memory_space<vmem>>, vector<1x1x16xf32>,
        %parallel_loop3A_270 = vector.shape_cast %parallel_loop3A_269 : vector<1x1x16xf32> to vector<16xf32>
        %parallel_loop3A_271 = arith.addf %parallel_loop3A_255, %parallel_loop3A_270 : vector<16xf32>
        %parallel_loop3A_272 = arith.constant 0 : i32
        %parallel_loop3A_273 = arith.index_cast %parallel_loop3A_272 : i32 to index
        %parallel_loop3A_274 = arith.index_cast %parallel_loop3A_253 : i32 to index
        %parallel_loop3A_275 = arith.constant 32 : index
        %parallel_loop3A_276 = tpu.vector_load %arg6[%parallel_loop3A_273, %parallel_loop3A_274, %parallel_loop3A_275] {strides = array<i32>} : memref<4x104x64xf32, #tpu.memory_space<vmem>>, vector<1x1x16xf32>,
        %parallel_loop3A_277 = vector.shape_cast %parallel_loop3A_276 : vector<1x1x16xf32> to vector<16xf32>
        %parallel_loop3A_278 = arith.addf %parallel_loop3A_256, %parallel_loop3A_277 : vector<16xf32>
        %parallel_loop3A_279 = arith.constant 0 : i32
        %parallel_loop3A_280 = arith.index_cast %parallel_loop3A_279 : i32 to index
        %parallel_loop3A_281 = arith.index_cast %parallel_loop3A_253 : i32 to index
        %parallel_loop3A_282 = arith.constant 48 : index
        %parallel_loop3A_283 = tpu.vector_load %arg6[%parallel_loop3A_280, %parallel_loop3A_281, %parallel_loop3A_282] {strides = array<i32>} : memref<4x104x64xf32, #tpu.memory_space<vmem>>, vector<1x1x16xf32>,
        %parallel_loop3A_284 = vector.shape_cast %parallel_loop3A_283 : vector<1x1x16xf32> to vector<16xf32>
        %parallel_loop3A_285 = arith.addf %parallel_loop3A_257, %parallel_loop3A_284 : vector<16xf32>
        scf.yield %parallel_loop3A_264, %parallel_loop3A_271, %parallel_loop3A_278, %parallel_loop3A_285 : vector<16xf32>, vector<16xf32>, vector<16xf32>, vector<16xf32>
      } {sc.loop_unroll_factor = 4 : i64, sc.parallel_access}
      %mul3A_71 = arith.constant 2 : i32
      %mul3A_72 = arith.muli %scan3A_31, %mul3A_71 : i32
      %add3A_73 = arith.constant 1 : i32
      %add3A_74 = arith.addi %mul3A_72, %add3A_73 : i32
      %dma_start3A_75 = arith.constant 3 : i32
      %dma_start3A_76 = arith.constant 0 : i32
      %dma_start3A_77 = arith.constant 0 : i32
      %dma_start3A_78 = tpu.memref_slice %arg6[%dma_start3A_75, %dma_start3A_76, %dma_start3A_77] : memref<4x104x64xf32, #tpu.memory_space<vmem>> -> memref<1x96x64xf32, #tpu.memory_space<vmem>>
      %dma_start3A_79 = tpu.memref_squeeze %dma_start3A_78 : memref<1x96x64xf32, #tpu.memory_space<vmem>> -> memref<96x64xf32, #tpu.memory_space<vmem>>
      %dma_start3A_80 = arith.constant 104 : i32
      %dma_start3A_81 = tpu.memref_slice %arg5[%add3A_74, %dma_start3A_80] : memref<128x200xi32, #tpu.memory_space<vmem>> -> memref<1x96xi32, #tpu.memory_space<vmem>>
      %dma_start3A_82 = tpu.memref_squeeze %dma_start3A_81 : memref<1x96xi32, #tpu.memory_space<vmem>> -> memref<96xi32, #tpu.memory_space<vmem>>
      %dma_start3A_83 = arith.constant 0 : i32
      %dma_start3A_84 = arith.constant 0 : i32
      %dma_start3A_85 = tpu.memref_slice %arg3[%dma_start3A_83, %dma_start3A_84] : memref<100000x64xf32, #tpu.memory_space<hbm>> -> memref<100000x64xf32, #tpu.memory_space<hbm>>
      tpu.enqueue_indirect_dma source(%dma_start3A_85 : memref<100000x64xf32, #tpu.memory_space<hbm>>) target(%dma_start3A_79 : memref<96x64xf32, #tpu.memory_space<vmem>>) offsets(%dma_start3A_82 : memref<96xi32, #tpu.memory_space<vmem>>) semaphore(%arg11 : memref<!tpu.dma_semaphore, #tpu.memory_space<semaphore_mem>>)
      %mul3A_86 = arith.constant 2 : i32
      %mul3A_87 = arith.muli %scan3A_31, %mul3A_86 : i32
      %add3A_88 = arith.constant 0 : i32
      %add3A_89 = arith.addi %mul3A_87, %add3A_88 : i32
      %dma_wait3A_90 = arith.constant 1 : i32
      %dma_wait3A_91 = arith.constant 0 : i32
      %dma_wait3A_92 = arith.constant 0 : i32
      %dma_wait3A_93 = tpu.memref_slice %arg6[%dma_wait3A_90, %dma_wait3A_91, %dma_wait3A_92] : memref<4x104x64xf32, #tpu.memory_space<vmem>> -> memref<1x96x64xf32, #tpu.memory_space<vmem>>
      %dma_wait3A_94 = tpu.memref_squeeze %dma_wait3A_93 : memref<1x96x64xf32, #tpu.memory_space<vmem>> -> memref<96x64xf32, #tpu.memory_space<vmem>>
      %dma_wait3A_95 = arith.constant 104 : i32
      %dma_wait3A_96 = tpu.memref_slice %arg5[%add3A_89, %dma_wait3A_95] : memref<128x200xi32, #tpu.memory_space<vmem>> -> memref<1x96xi32, #tpu.memory_space<vmem>>
      %dma_wait3A_97 = tpu.memref_squeeze %dma_wait3A_96 : memref<1x96xi32, #tpu.memory_space<vmem>> -> memref<96xi32, #tpu.memory_space<vmem>>
      %dma_wait3A_98 = arith.constant 0 : i32
      %dma_wait3A_99 = arith.constant 0 : i32
      %dma_wait3A_100 = tpu.memref_slice %arg3[%dma_wait3A_98, %dma_wait3A_99] : memref<100000x64xf32, #tpu.memory_space<hbm>> -> memref<100000x64xf32, #tpu.memory_space<hbm>>
      tpu.wait_indirect_dma semaphore(%arg9 : memref<!tpu.dma_semaphore, #tpu.memory_space<semaphore_mem>>) src(%dma_wait3A_100 : memref<100000x64xf32, #tpu.memory_space<hbm>>) dst(%dma_wait3A_94 : memref<96x64xf32, #tpu.memory_space<vmem>>)
      %parallel_loop3A_101 = arith.constant 0 : i32
      %parallel_loop3A_102 = arith.constant 96 : i32
      %parallel_loop3A_103 = arith.constant 1 : i32
      %parallel_loop3A_104:4 = scf.for %parallel_loop3A_253 = %parallel_loop3A_101 to %parallel_loop3A_102 step %parallel_loop3A_103 iter_args(%parallel_loop3A_254 = %parallel_loop3A_70#0, %parallel_loop3A_255 = %parallel_loop3A_70#1, %parallel_loop3A_256 = %parallel_loop3A_70#2, %parallel_loop3A_257 = %parallel_loop3A_70#3) -> (vector<16xf32>, vector<16xf32>, vector<16xf32>, vector<16xf32>)  : i32 {
        %parallel_loop3A_258 = arith.constant 1 : i32
        %parallel_loop3A_259 = arith.index_cast %parallel_loop3A_258 : i32 to index
        %parallel_loop3A_260 = arith.index_cast %parallel_loop3A_253 : i32 to index
        %parallel_loop3A_261 = arith.constant 0 : index
        %parallel_loop3A_262 = tpu.vector_load %arg6[%parallel_loop3A_259, %parallel_loop3A_260, %parallel_loop3A_261] {strides = array<i32>} : memref<4x104x64xf32, #tpu.memory_space<vmem>>, vector<1x1x16xf32>,
        %parallel_loop3A_263 = vector.shape_cast %parallel_loop3A_262 : vector<1x1x16xf32> to vector<16xf32>
        %parallel_loop3A_264 = arith.addf %parallel_loop3A_254, %parallel_loop3A_263 : vector<16xf32>
        %parallel_loop3A_265 = arith.constant 1 : i32
        %parallel_loop3A_266 = arith.index_cast %parallel_loop3A_265 : i32 to index
        %parallel_loop3A_267 = arith.index_cast %parallel_loop3A_253 : i32 to index
        %parallel_loop3A_268 = arith.constant 16 : index
        %parallel_loop3A_269 = tpu.vector_load %arg6[%parallel_loop3A_266, %parallel_loop3A_267, %parallel_loop3A_268] {strides = array<i32>} : memref<4x104x64xf32, #tpu.memory_space<vmem>>, vector<1x1x16xf32>,
        %parallel_loop3A_270 = vector.shape_cast %parallel_loop3A_269 : vector<1x1x16xf32> to vector<16xf32>
        %parallel_loop3A_271 = arith.addf %parallel_loop3A_255, %parallel_loop3A_270 : vector<16xf32>
        %parallel_loop3A_272 = arith.constant 1 : i32
        %parallel_loop3A_273 = arith.index_cast %parallel_loop3A_272 : i32 to index
        %parallel_loop3A_274 = arith.index_cast %parallel_loop3A_253 : i32 to index
        %parallel_loop3A_275 = arith.constant 32 : index
        %parallel_loop3A_276 = tpu.vector_load %arg6[%parallel_loop3A_273, %parallel_loop3A_274, %parallel_loop3A_275] {strides = array<i32>} : memref<4x104x64xf32, #tpu.memory_space<vmem>>, vector<1x1x16xf32>,
        %parallel_loop3A_277 = vector.shape_cast %parallel_loop3A_276 : vector<1x1x16xf32> to vector<16xf32>
        %parallel_loop3A_278 = arith.addf %parallel_loop3A_256, %parallel_loop3A_277 : vector<16xf32>
        %parallel_loop3A_279 = arith.constant 1 : i32
        %parallel_loop3A_280 = arith.index_cast %parallel_loop3A_279 : i32 to index
        %parallel_loop3A_281 = arith.index_cast %parallel_loop3A_253 : i32 to index
        %parallel_loop3A_282 = arith.constant 48 : index
        %parallel_loop3A_283 = tpu.vector_load %arg6[%parallel_loop3A_280, %parallel_loop3A_281, %parallel_loop3A_282] {strides = array<i32>} : memref<4x104x64xf32, #tpu.memory_space<vmem>>, vector<1x1x16xf32>,
        %parallel_loop3A_284 = vector.shape_cast %parallel_loop3A_283 : vector<1x1x16xf32> to vector<16xf32>
        %parallel_loop3A_285 = arith.addf %parallel_loop3A_257, %parallel_loop3A_284 : vector<16xf32>
        scf.yield %parallel_loop3A_264, %parallel_loop3A_271, %parallel_loop3A_278, %parallel_loop3A_285 : vector<16xf32>, vector<16xf32>, vector<16xf32>, vector<16xf32>
      } {sc.loop_unroll_factor = 4 : i64, sc.parallel_access}
      %mul3A_105 = arith.constant 5.000000e-03 : f32
      %mul3A_106 = vector.broadcast %mul3A_105 : f32 to vector<16xf32>
      %mul3A_107 = arith.mulf %parallel_loop3A_104#0, %mul3A_106 : vector<16xf32>
      %mul3A_108 = arith.constant 2 : i32
      %mul3A_109 = arith.muli %scan3A_31, %mul3A_108 : i32
      %add3A_110 = arith.constant 0 : i32
      %add3A_111 = arith.addi %mul3A_109, %add3A_110 : i32
      %swap3A = arith.index_cast %add3A_111 : i32 to index
      %swap3A_112 = arith.constant 0 : index
      %swap3A_113 = tpu.vector_load %arg7[%swap3A, %swap3A_112] {strides = array<i32>} : memref<128x64xf32, #tpu.memory_space<vmem>>, vector<1x16xf32>,
      %swap3A_114 = vector.shape_cast %swap3A_113 : vector<1x16xf32> to vector<16xf32>
      %swap3A_115 = vector.shape_cast %mul3A_107 : vector<16xf32> to vector<1x16xf32>
      tpu.vector_store %arg7[%swap3A, %swap3A_112], %swap3A_115 {strides = array<i32>} : memref<128x64xf32, #tpu.memory_space<vmem>>, vector<1x16xf32>,
      %mul3A_116 = arith.constant 5.000000e-03 : f32
      %mul3A_117 = vector.broadcast %mul3A_116 : f32 to vector<16xf32>
      %mul3A_118 = arith.mulf %parallel_loop3A_104#1, %mul3A_117 : vector<16xf32>
      %mul3A_119 = arith.constant 2 : i32
      %mul3A_120 = arith.muli %scan3A_31, %mul3A_119 : i32
      %add3A_121 = arith.constant 0 : i32
      %add3A_122 = arith.addi %mul3A_120, %add3A_121 : i32
      %swap3A_123 = arith.index_cast %add3A_122 : i32 to index
      %swap3A_124 = arith.constant 16 : index
      %swap3A_125 = tpu.vector_load %arg7[%swap3A_123, %swap3A_124] {strides = array<i32>} : memref<128x64xf32, #tpu.memory_space<vmem>>, vector<1x16xf32>,
      %swap3A_126 = vector.shape_cast %swap3A_125 : vector<1x16xf32> to vector<16xf32>
      %swap3A_127 = vector.shape_cast %mul3A_118 : vector<16xf32> to vector<1x16xf32>
      tpu.vector_store %arg7[%swap3A_123, %swap3A_124], %swap3A_127 {strides = array<i32>} : memref<128x64xf32, #tpu.memory_space<vmem>>, vector<1x16xf32>,
      %mul3A_128 = arith.constant 5.000000e-03 : f32
      %mul3A_129 = vector.broadcast %mul3A_128 : f32 to vector<16xf32>
      %mul3A_130 = arith.mulf %parallel_loop3A_104#2, %mul3A_129 : vector<16xf32>
      %mul3A_131 = arith.constant 2 : i32
      %mul3A_132 = arith.muli %scan3A_31, %mul3A_131 : i32
      %add3A_133 = arith.constant 0 : i32
      %add3A_134 = arith.addi %mul3A_132, %add3A_133 : i32
      %swap3A_135 = arith.index_cast %add3A_134 : i32 to index
      %swap3A_136 = arith.constant 32 : index
      %swap3A_137 = tpu.vector_load %arg7[%swap3A_135, %swap3A_136] {strides = array<i32>} : memref<128x64xf32, #tpu.memory_space<vmem>>, vector<1x16xf32>,
      %swap3A_138 = vector.shape_cast %swap3A_137 : vector<1x16xf32> to vector<16xf32>
      %swap3A_139 = vector.shape_cast %mul3A_130 : vector<16xf32> to vector<1x16xf32>
      tpu.vector_store %arg7[%swap3A_135, %swap3A_136], %swap3A_139 {strides = array<i32>} : memref<128x64xf32, #tpu.memory_space<vmem>>, vector<1x16xf32>,
      %mul3A_140 = arith.constant 5.000000e-03 : f32
      %mul3A_141 = vector.broadcast %mul3A_140 : f32 to vector<16xf32>
      %mul3A_142 = arith.mulf %parallel_loop3A_104#3, %mul3A_141 : vector<16xf32>
      %mul3A_143 = arith.constant 2 : i32
      %mul3A_144 = arith.muli %scan3A_31, %mul3A_143 : i32
      %add3A_145 = arith.constant 0 : i32
      %add3A_146 = arith.addi %mul3A_144, %add3A_145 : i32
      %swap3A_147 = arith.index_cast %add3A_146 : i32 to index
      %swap3A_148 = arith.constant 48 : index
      %swap3A_149 = tpu.vector_load %arg7[%swap3A_147, %swap3A_148] {strides = array<i32>} : memref<128x64xf32, #tpu.memory_space<vmem>>, vector<1x16xf32>,
      %swap3A_150 = vector.shape_cast %swap3A_149 : vector<1x16xf32> to vector<16xf32>
      %swap3A_151 = vector.shape_cast %mul3A_142 : vector<16xf32> to vector<1x16xf32>
      tpu.vector_store %arg7[%swap3A_147, %swap3A_148], %swap3A_151 {strides = array<i32>} : memref<128x64xf32, #tpu.memory_space<vmem>>, vector<1x16xf32>,
      %lt3A = arith.constant 63 : i32
      %lt3A_152 = arith.cmpi slt, %scan3A_31, %lt3A : i32
      %convert_element_type3A = arith.extui %lt3A_152 : i1 to i32
      %cond3A = arith.constant 0 : i32
      %cond3A_153 = arith.cmpi ne, %convert_element_type3A, %cond3A : i32
      scf.if %cond3A_153 {
        %add3A_253 = arith.constant 1 : i32
        %add3A_254 = arith.addi %scan3A_31, %add3A_253 : i32
        %mul3A_255 = arith.constant 2 : i32
        %mul3A_256 = arith.muli %add3A_254, %mul3A_255 : i32
        %add3A_257 = arith.constant 0 : i32
        %add3A_258 = arith.addi %mul3A_256, %add3A_257 : i32
        %dma_start3A_259 = arith.constant 0 : i32
        %dma_start3A_260 = arith.constant 0 : i32
        %dma_start3A_261 = arith.constant 0 : i32
        %dma_start3A_262 = tpu.memref_slice %arg6[%dma_start3A_259, %dma_start3A_260, %dma_start3A_261] : memref<4x104x64xf32, #tpu.memory_space<vmem>> -> memref<1x104x64xf32, #tpu.memory_space<vmem>>
        %dma_start3A_263 = tpu.memref_squeeze %dma_start3A_262 : memref<1x104x64xf32, #tpu.memory_space<vmem>> -> memref<104x64xf32, #tpu.memory_space<vmem>>
        %dma_start3A_264 = arith.constant 0 : i32
        %dma_start3A_265 = tpu.memref_slice %arg5[%add3A_258, %dma_start3A_264] : memref<128x200xi32, #tpu.memory_space<vmem>> -> memref<1x104xi32, #tpu.memory_space<vmem>>
        %dma_start3A_266 = tpu.memref_squeeze %dma_start3A_265 : memref<1x104xi32, #tpu.memory_space<vmem>> -> memref<104xi32, #tpu.memory_space<vmem>>
        %dma_start3A_267 = arith.constant 0 : i32
        %dma_start3A_268 = arith.constant 0 : i32
        %dma_start3A_269 = tpu.memref_slice %arg3[%dma_start3A_267, %dma_start3A_268] : memref<100000x64xf32, #tpu.memory_space<hbm>> -> memref<100000x64xf32, #tpu.memory_space<hbm>>
        tpu.enqueue_indirect_dma source(%dma_start3A_269 : memref<100000x64xf32, #tpu.memory_space<hbm>>) target(%dma_start3A_263 : memref<104x64xf32, #tpu.memory_space<vmem>>) offsets(%dma_start3A_266 : memref<104xi32, #tpu.memory_space<vmem>>) semaphore(%arg8 : memref<!tpu.dma_semaphore, #tpu.memory_space<semaphore_mem>>)
      } else {
      }
      %mul3A_154 = arith.constant 2 : i32
      %mul3A_155 = arith.muli %scan3A_31, %mul3A_154 : i32
      %add3A_156 = arith.constant 1 : i32
      %add3A_157 = arith.addi %mul3A_155, %add3A_156 : i32
      %dma_wait3A_158 = arith.constant 2 : i32
      %dma_wait3A_159 = arith.constant 0 : i32
      %dma_wait3A_160 = arith.constant 0 : i32
      %dma_wait3A_161 = tpu.memref_slice %arg6[%dma_wait3A_158, %dma_wait3A_159, %dma_wait3A_160] : memref<4x104x64xf32, #tpu.memory_space<vmem>> -> memref<1x104x64xf32, #tpu.memory_space<vmem>>
      %dma_wait3A_162 = tpu.memref_squeeze %dma_wait3A_161 : memref<1x104x64xf32, #tpu.memory_space<vmem>> -> memref<104x64xf32, #tpu.memory_space<vmem>>
      %dma_wait3A_163 = arith.constant 0 : i32
      %dma_wait3A_164 = tpu.memref_slice %arg5[%add3A_157, %dma_wait3A_163] : memref<128x200xi32, #tpu.memory_space<vmem>> -> memref<1x104xi32, #tpu.memory_space<vmem>>
      %dma_wait3A_165 = tpu.memref_squeeze %dma_wait3A_164 : memref<1x104xi32, #tpu.memory_space<vmem>> -> memref<104xi32, #tpu.memory_space<vmem>>
      %dma_wait3A_166 = arith.constant 0 : i32
      %dma_wait3A_167 = arith.constant 0 : i32
      %dma_wait3A_168 = tpu.memref_slice %arg3[%dma_wait3A_166, %dma_wait3A_167] : memref<100000x64xf32, #tpu.memory_space<hbm>> -> memref<100000x64xf32, #tpu.memory_space<hbm>>
      tpu.wait_indirect_dma semaphore(%arg10 : memref<!tpu.dma_semaphore, #tpu.memory_space<semaphore_mem>>) src(%dma_wait3A_168 : memref<100000x64xf32, #tpu.memory_space<hbm>>) dst(%dma_wait3A_162 : memref<104x64xf32, #tpu.memory_space<vmem>>)
      %broadcast_in_dim3A_169 = arith.constant 0.000000e+00 : f32
      %broadcast_in_dim3A_170 = vector.broadcast %broadcast_in_dim3A_169 : f32 to vector<16xf32>
      %broadcast_in_dim3A_171 = arith.constant 0.000000e+00 : f32
      %broadcast_in_dim3A_172 = vector.broadcast %broadcast_in_dim3A_171 : f32 to vector<16xf32>
      %broadcast_in_dim3A_173 = arith.constant 0.000000e+00 : f32
      %broadcast_in_dim3A_174 = vector.broadcast %broadcast_in_dim3A_173 : f32 to vector<16xf32>
      %broadcast_in_dim3A_175 = arith.constant 0.000000e+00 : f32
      %broadcast_in_dim3A_176 = vector.broadcast %broadcast_in_dim3A_175 : f32 to vector<16xf32>
      %parallel_loop3A_177 = arith.constant 0 : i32
      %parallel_loop3A_178 = arith.constant 104 : i32
      %parallel_loop3A_179 = arith.constant 1 : i32
      %parallel_loop3A_180:4 = scf.for %parallel_loop3A_253 = %parallel_loop3A_177 to %parallel_loop3A_178 step %parallel_loop3A_179 iter_args(%parallel_loop3A_254 = %broadcast_in_dim3A_170, %parallel_loop3A_255 = %broadcast_in_dim3A_172, %parallel_loop3A_256 = %broadcast_in_dim3A_174, %parallel_loop3A_257 = %broadcast_in_dim3A_176) -> (vector<16xf32>, vector<16xf32>, vector<16xf32>, vector<16xf32>)  : i32 {
        %parallel_loop3A_258 = arith.constant 2 : i32
        %parallel_loop3A_259 = arith.index_cast %parallel_loop3A_258 : i32 to index
        %parallel_loop3A_260 = arith.index_cast %parallel_loop3A_253 : i32 to index
        %parallel_loop3A_261 = arith.constant 0 : index
        %parallel_loop3A_262 = tpu.vector_load %arg6[%parallel_loop3A_259, %parallel_loop3A_260, %parallel_loop3A_261] {strides = array<i32>} : memref<4x104x64xf32, #tpu.memory_space<vmem>>, vector<1x1x16xf32>,
        %parallel_loop3A_263 = vector.shape_cast %parallel_loop3A_262 : vector<1x1x16xf32> to vector<16xf32>
        %parallel_loop3A_264 = arith.addf %parallel_loop3A_254, %parallel_loop3A_263 : vector<16xf32>
        %parallel_loop3A_265 = arith.constant 2 : i32
        %parallel_loop3A_266 = arith.index_cast %parallel_loop3A_265 : i32 to index
        %parallel_loop3A_267 = arith.index_cast %parallel_loop3A_253 : i32 to index
        %parallel_loop3A_268 = arith.constant 16 : index
        %parallel_loop3A_269 = tpu.vector_load %arg6[%parallel_loop3A_266, %parallel_loop3A_267, %parallel_loop3A_268] {strides = array<i32>} : memref<4x104x64xf32, #tpu.memory_space<vmem>>, vector<1x1x16xf32>,
        %parallel_loop3A_270 = vector.shape_cast %parallel_loop3A_269 : vector<1x1x16xf32> to vector<16xf32>
        %parallel_loop3A_271 = arith.addf %parallel_loop3A_255, %parallel_loop3A_270 : vector<16xf32>
        %parallel_loop3A_272 = arith.constant 2 : i32
        %parallel_loop3A_273 = arith.index_cast %parallel_loop3A_272 : i32 to index
        %parallel_loop3A_274 = arith.index_cast %parallel_loop3A_253 : i32 to index
        %parallel_loop3A_275 = arith.constant 32 : index
        %parallel_loop3A_276 = tpu.vector_load %arg6[%parallel_loop3A_273, %parallel_loop3A_274, %parallel_loop3A_275] {strides = array<i32>} : memref<4x104x64xf32, #tpu.memory_space<vmem>>, vector<1x1x16xf32>,
        %parallel_loop3A_277 = vector.shape_cast %parallel_loop3A_276 : vector<1x1x16xf32> to vector<16xf32>
        %parallel_loop3A_278 = arith.addf %parallel_loop3A_256, %parallel_loop3A_277 : vector<16xf32>
        %parallel_loop3A_279 = arith.constant 2 : i32
        %parallel_loop3A_280 = arith.index_cast %parallel_loop3A_279 : i32 to index
        %parallel_loop3A_281 = arith.index_cast %parallel_loop3A_253 : i32 to index
        %parallel_loop3A_282 = arith.constant 48 : index
        %parallel_loop3A_283 = tpu.vector_load %arg6[%parallel_loop3A_280, %parallel_loop3A_281, %parallel_loop3A_282] {strides = array<i32>} : memref<4x104x64xf32, #tpu.memory_space<vmem>>, vector<1x1x16xf32>,
        %parallel_loop3A_284 = vector.shape_cast %parallel_loop3A_283 : vector<1x1x16xf32> to vector<16xf32>
        %parallel_loop3A_285 = arith.addf %parallel_loop3A_257, %parallel_loop3A_284 : vector<16xf32>
        scf.yield %parallel_loop3A_264, %parallel_loop3A_271, %parallel_loop3A_278, %parallel_loop3A_285 : vector<16xf32>, vector<16xf32>, vector<16xf32>, vector<16xf32>
      } {sc.loop_unroll_factor = 4 : i64, sc.parallel_access}
      %lt3A_181 = arith.constant 63 : i32
      %lt3A_182 = arith.cmpi slt, %scan3A_31, %lt3A_181 : i32
      %convert_element_type3A_183 = arith.extui %lt3A_182 : i1 to i32
      %cond3A_184 = arith.constant 0 : i32
      %cond3A_185 = arith.cmpi ne, %convert_element_type3A_183, %cond3A_184 : i32
      scf.if %cond3A_185 {
        %add3A_253 = arith.constant 1 : i32
        %add3A_254 = arith.addi %scan3A_31, %add3A_253 : i32
        %mul3A_255 = arith.constant 2 : i32
        %mul3A_256 = arith.muli %add3A_254, %mul3A_255 : i32
        %add3A_257 = arith.constant 0 : i32
        %add3A_258 = arith.addi %mul3A_256, %add3A_257 : i32
        %dma_start3A_259 = arith.constant 1 : i32
        %dma_start3A_260 = arith.constant 0 : i32
        %dma_start3A_261 = arith.constant 0 : i32
        %dma_start3A_262 = tpu.memref_slice %arg6[%dma_start3A_259, %dma_start3A_260, %dma_start3A_261] : memref<4x104x64xf32, #tpu.memory_space<vmem>> -> memref<1x96x64xf32, #tpu.memory_space<vmem>>
        %dma_start3A_263 = tpu.memref_squeeze %dma_start3A_262 : memref<1x96x64xf32, #tpu.memory_space<vmem>> -> memref<96x64xf32, #tpu.memory_space<vmem>>
        %dma_start3A_264 = arith.constant 104 : i32
        %dma_start3A_265 = tpu.memref_slice %arg5[%add3A_258, %dma_start3A_264] : memref<128x200xi32, #tpu.memory_space<vmem>> -> memref<1x96xi32, #tpu.memory_space<vmem>>
        %dma_start3A_266 = tpu.memref_squeeze %dma_start3A_265 : memref<1x96xi32, #tpu.memory_space<vmem>> -> memref<96xi32, #tpu.memory_space<vmem>>
        %dma_start3A_267 = arith.constant 0 : i32
        %dma_start3A_268 = arith.constant 0 : i32
        %dma_start3A_269 = tpu.memref_slice %arg3[%dma_start3A_267, %dma_start3A_268] : memref<100000x64xf32, #tpu.memory_space<hbm>> -> memref<100000x64xf32, #tpu.memory_space<hbm>>
        tpu.enqueue_indirect_dma source(%dma_start3A_269 : memref<100000x64xf32, #tpu.memory_space<hbm>>) target(%dma_start3A_263 : memref<96x64xf32, #tpu.memory_space<vmem>>) offsets(%dma_start3A_266 : memref<96xi32, #tpu.memory_space<vmem>>) semaphore(%arg9 : memref<!tpu.dma_semaphore, #tpu.memory_space<semaphore_mem>>)
      } else {
      }
      %mul3A_186 = arith.constant 2 : i32
      %mul3A_187 = arith.muli %scan3A_31, %mul3A_186 : i32
      %add3A_188 = arith.constant 1 : i32
      %add3A_189 = arith.addi %mul3A_187, %add3A_188 : i32
      %dma_wait3A_190 = arith.constant 3 : i32
      %dma_wait3A_191 = arith.constant 0 : i32
      %dma_wait3A_192 = arith.constant 0 : i32
      %dma_wait3A_193 = tpu.memref_slice %arg6[%dma_wait3A_190, %dma_wait3A_191, %dma_wait3A_192] : memref<4x104x64xf32, #tpu.memory_space<vmem>> -> memref<1x96x64xf32, #tpu.memory_space<vmem>>
      %dma_wait3A_194 = tpu.memref_squeeze %dma_wait3A_193 : memref<1x96x64xf32, #tpu.memory_space<vmem>> -> memref<96x64xf32, #tpu.memory_space<vmem>>
      %dma_wait3A_195 = arith.constant 104 : i32
      %dma_wait3A_196 = tpu.memref_slice %arg5[%add3A_189, %dma_wait3A_195] : memref<128x200xi32, #tpu.memory_space<vmem>> -> memref<1x96xi32, #tpu.memory_space<vmem>>
      %dma_wait3A_197 = tpu.memref_squeeze %dma_wait3A_196 : memref<1x96xi32, #tpu.memory_space<vmem>> -> memref<96xi32, #tpu.memory_space<vmem>>
      %dma_wait3A_198 = arith.constant 0 : i32
      %dma_wait3A_199 = arith.constant 0 : i32
      %dma_wait3A_200 = tpu.memref_slice %arg3[%dma_wait3A_198, %dma_wait3A_199] : memref<100000x64xf32, #tpu.memory_space<hbm>> -> memref<100000x64xf32, #tpu.memory_space<hbm>>
      tpu.wait_indirect_dma semaphore(%arg11 : memref<!tpu.dma_semaphore, #tpu.memory_space<semaphore_mem>>) src(%dma_wait3A_200 : memref<100000x64xf32, #tpu.memory_space<hbm>>) dst(%dma_wait3A_194 : memref<96x64xf32, #tpu.memory_space<vmem>>)
      %parallel_loop3A_201 = arith.constant 0 : i32
      %parallel_loop3A_202 = arith.constant 96 : i32
      %parallel_loop3A_203 = arith.constant 1 : i32
      %parallel_loop3A_204:4 = scf.for %parallel_loop3A_253 = %parallel_loop3A_201 to %parallel_loop3A_202 step %parallel_loop3A_203 iter_args(%parallel_loop3A_254 = %parallel_loop3A_180#0, %parallel_loop3A_255 = %parallel_loop3A_180#1, %parallel_loop3A_256 = %parallel_loop3A_180#2, %parallel_loop3A_257 = %parallel_loop3A_180#3) -> (vector<16xf32>, vector<16xf32>, vector<16xf32>, vector<16xf32>)  : i32 {
        %parallel_loop3A_258 = arith.constant 3 : i32
        %parallel_loop3A_259 = arith.index_cast %parallel_loop3A_258 : i32 to index
        %parallel_loop3A_260 = arith.index_cast %parallel_loop3A_253 : i32 to index
        %parallel_loop3A_261 = arith.constant 0 : index
        %parallel_loop3A_262 = tpu.vector_load %arg6[%parallel_loop3A_259, %parallel_loop3A_260, %parallel_loop3A_261] {strides = array<i32>} : memref<4x104x64xf32, #tpu.memory_space<vmem>>, vector<1x1x16xf32>,
        %parallel_loop3A_263 = vector.shape_cast %parallel_loop3A_262 : vector<1x1x16xf32> to vector<16xf32>
        %parallel_loop3A_264 = arith.addf %parallel_loop3A_254, %parallel_loop3A_263 : vector<16xf32>
        %parallel_loop3A_265 = arith.constant 3 : i32
        %parallel_loop3A_266 = arith.index_cast %parallel_loop3A_265 : i32 to index
        %parallel_loop3A_267 = arith.index_cast %parallel_loop3A_253 : i32 to index
        %parallel_loop3A_268 = arith.constant 16 : index
        %parallel_loop3A_269 = tpu.vector_load %arg6[%parallel_loop3A_266, %parallel_loop3A_267, %parallel_loop3A_268] {strides = array<i32>} : memref<4x104x64xf32, #tpu.memory_space<vmem>>, vector<1x1x16xf32>,
        %parallel_loop3A_270 = vector.shape_cast %parallel_loop3A_269 : vector<1x1x16xf32> to vector<16xf32>
        %parallel_loop3A_271 = arith.addf %parallel_loop3A_255, %parallel_loop3A_270 : vector<16xf32>
        %parallel_loop3A_272 = arith.constant 3 : i32
        %parallel_loop3A_273 = arith.index_cast %parallel_loop3A_272 : i32 to index
        %parallel_loop3A_274 = arith.index_cast %parallel_loop3A_253 : i32 to index
        %parallel_loop3A_275 = arith.constant 32 : index
        %parallel_loop3A_276 = tpu.vector_load %arg6[%parallel_loop3A_273, %parallel_loop3A_274, %parallel_loop3A_275] {strides = array<i32>} : memref<4x104x64xf32, #tpu.memory_space<vmem>>, vector<1x1x16xf32>,
        %parallel_loop3A_277 = vector.shape_cast %parallel_loop3A_276 : vector<1x1x16xf32> to vector<16xf32>
        %parallel_loop3A_278 = arith.addf %parallel_loop3A_256, %parallel_loop3A_277 : vector<16xf32>
        %parallel_loop3A_279 = arith.constant 3 : i32
        %parallel_loop3A_280 = arith.index_cast %parallel_loop3A_279 : i32 to index
        %parallel_loop3A_281 = arith.index_cast %parallel_loop3A_253 : i32 to index
        %parallel_loop3A_282 = arith.constant 48 : index
        %parallel_loop3A_283 = tpu.vector_load %arg6[%parallel_loop3A_280, %parallel_loop3A_281, %parallel_loop3A_282] {strides = array<i32>} : memref<4x104x64xf32, #tpu.memory_space<vmem>>, vector<1x1x16xf32>,
        %parallel_loop3A_284 = vector.shape_cast %parallel_loop3A_283 : vector<1x1x16xf32> to vector<16xf32>
        %parallel_loop3A_285 = arith.addf %parallel_loop3A_257, %parallel_loop3A_284 : vector<16xf32>
        scf.yield %parallel_loop3A_264, %parallel_loop3A_271, %parallel_loop3A_278, %parallel_loop3A_285 : vector<16xf32>, vector<16xf32>, vector<16xf32>, vector<16xf32>
      } {sc.loop_unroll_factor = 4 : i64, sc.parallel_access}
      %mul3A_205 = arith.constant 5.000000e-03 : f32
      %mul3A_206 = vector.broadcast %mul3A_205 : f32 to vector<16xf32>
      %mul3A_207 = arith.mulf %parallel_loop3A_204#0, %mul3A_206 : vector<16xf32>
      %mul3A_208 = arith.constant 2 : i32
      %mul3A_209 = arith.muli %scan3A_31, %mul3A_208 : i32
      %add3A_210 = arith.constant 1 : i32
      %add3A_211 = arith.addi %mul3A_209, %add3A_210 : i32
      %swap3A_212 = arith.index_cast %add3A_211 : i32 to index
      %swap3A_213 = arith.constant 0 : index
      %swap3A_214 = tpu.vector_load %arg7[%swap3A_212, %swap3A_213] {strides = array<i32>} : memref<128x64xf32, #tpu.memory_space<vmem>>, vector<1x16xf32>,
      %swap3A_215 = vector.shape_cast %swap3A_214 : vector<1x16xf32> to vector<16xf32>
      %swap3A_216 = vector.shape_cast %mul3A_207 : vector<16xf32> to vector<1x16xf32>
      tpu.vector_store %arg7[%swap3A_212, %swap3A_213], %swap3A_216 {strides = array<i32>} : memref<128x64xf32, #tpu.memory_space<vmem>>, vector<1x16xf32>,
      %mul3A_217 = arith.constant 5.000000e-03 : f32
      %mul3A_218 = vector.broadcast %mul3A_217 : f32 to vector<16xf32>
      %mul3A_219 = arith.mulf %parallel_loop3A_204#1, %mul3A_218 : vector<16xf32>
      %mul3A_220 = arith.constant 2 : i32
      %mul3A_221 = arith.muli %scan3A_31, %mul3A_220 : i32
      %add3A_222 = arith.constant 1 : i32
      %add3A_223 = arith.addi %mul3A_221, %add3A_222 : i32
      %swap3A_224 = arith.index_cast %add3A_223 : i32 to index
      %swap3A_225 = arith.constant 16 : index
      %swap3A_226 = tpu.vector_load %arg7[%swap3A_224, %swap3A_225] {strides = array<i32>} : memref<128x64xf32, #tpu.memory_space<vmem>>, vector<1x16xf32>,
      %swap3A_227 = vector.shape_cast %swap3A_226 : vector<1x16xf32> to vector<16xf32>
      %swap3A_228 = vector.shape_cast %mul3A_219 : vector<16xf32> to vector<1x16xf32>
      tpu.vector_store %arg7[%swap3A_224, %swap3A_225], %swap3A_228 {strides = array<i32>} : memref<128x64xf32, #tpu.memory_space<vmem>>, vector<1x16xf32>,
      %mul3A_229 = arith.constant 5.000000e-03 : f32
      %mul3A_230 = vector.broadcast %mul3A_229 : f32 to vector<16xf32>
      %mul3A_231 = arith.mulf %parallel_loop3A_204#2, %mul3A_230 : vector<16xf32>
      %mul3A_232 = arith.constant 2 : i32
      %mul3A_233 = arith.muli %scan3A_31, %mul3A_232 : i32
      %add3A_234 = arith.constant 1 : i32
      %add3A_235 = arith.addi %mul3A_233, %add3A_234 : i32
      %swap3A_236 = arith.index_cast %add3A_235 : i32 to index
      %swap3A_237 = arith.constant 32 : index
      %swap3A_238 = tpu.vector_load %arg7[%swap3A_236, %swap3A_237] {strides = array<i32>} : memref<128x64xf32, #tpu.memory_space<vmem>>, vector<1x16xf32>,
      %swap3A_239 = vector.shape_cast %swap3A_238 : vector<1x16xf32> to vector<16xf32>
      %swap3A_240 = vector.shape_cast %mul3A_231 : vector<16xf32> to vector<1x16xf32>
      tpu.vector_store %arg7[%swap3A_236, %swap3A_237], %swap3A_240 {strides = array<i32>} : memref<128x64xf32, #tpu.memory_space<vmem>>, vector<1x16xf32>,
      %mul3A_241 = arith.constant 5.000000e-03 : f32
      %mul3A_242 = vector.broadcast %mul3A_241 : f32 to vector<16xf32>
      %mul3A_243 = arith.mulf %parallel_loop3A_204#3, %mul3A_242 : vector<16xf32>
      %mul3A_244 = arith.constant 2 : i32
      %mul3A_245 = arith.muli %scan3A_31, %mul3A_244 : i32
      %add3A_246 = arith.constant 1 : i32
      %add3A_247 = arith.addi %mul3A_245, %add3A_246 : i32
      %swap3A_248 = arith.index_cast %add3A_247 : i32 to index
      %swap3A_249 = arith.constant 48 : index
      %swap3A_250 = tpu.vector_load %arg7[%swap3A_248, %swap3A_249] {strides = array<i32>} : memref<128x64xf32, #tpu.memory_space<vmem>>, vector<1x16xf32>,
      %swap3A_251 = vector.shape_cast %swap3A_250 : vector<1x16xf32> to vector<16xf32>
      %swap3A_252 = vector.shape_cast %mul3A_243 : vector<16xf32> to vector<1x16xf32>
      tpu.vector_store %arg7[%swap3A_248, %swap3A_249], %swap3A_252 {strides = array<i32>} : memref<128x64xf32, #tpu.memory_space<vmem>>, vector<1x16xf32>,
    }
    %scan3A_30 = arith.constant 64 : i32
    "tpu.region"() ({
      %run_scoped3A = tpu.sem_alloc : memref<!tpu.dma_semaphore, #tpu.memory_space<semaphore_mem>>
      %dma_start3A_31 = arith.constant 0 : i32
      %dma_start3A_32 = tpu.memref_slice %arg4[%mul3A_2, %dma_start3A_31] : memref<4096x64xf32, #tpu.memory_space<hbm>> -> memref<128x64xf32, #tpu.memory_space<hbm>>
      %dma_start3A_33 = arith.constant 0 : i32
      %dma_start3A_34 = tpu.memref_slice %arg4[%mul3A_2, %dma_start3A_33] : memref<4096x64xf32, #tpu.memory_space<hbm>> -> memref<128x64xf32, #tpu.memory_space<hbm>>
      tpu.enqueue_dma source(%arg7 : memref<128x64xf32, #tpu.memory_space<vmem>>) target(%dma_start3A_34 : memref<128x64xf32, #tpu.memory_space<hbm>>) target_semaphore(%run_scoped3A : memref<!tpu.dma_semaphore, #tpu.memory_space<semaphore_mem>>)
      %dma_wait3A = arith.constant 0 : i32
      %dma_wait3A_35 = tpu.memref_slice %arg4[%mul3A_2, %dma_wait3A] : memref<4096x64xf32, #tpu.memory_space<hbm>> -> memref<128x64xf32, #tpu.memory_space<hbm>>
      %dma_wait3A_36 = arith.constant 0 : i32
      %dma_wait3A_37 = tpu.memref_slice %arg4[%mul3A_2, %dma_wait3A_36] : memref<4096x64xf32, #tpu.memory_space<hbm>> -> memref<128x64xf32, #tpu.memory_space<hbm>>
      tpu.wait_dma2 semaphore(%run_scoped3A : memref<!tpu.dma_semaphore, #tpu.memory_space<semaphore_mem>>) src(%arg7 : memref<128x64xf32, #tpu.memory_space<vmem>>) dst(%dma_wait3A_37 : memref<128x64xf32, #tpu.memory_space<hbm>>)
      tpu.yield
    }) : () -> ()
    return
  }
}

module attributes {stable_mosaic.version = 14 : i64} {
  func.func @_mlp_body(%arg0: memref<4096x64xf32, #tpu.memory_space<vmem>>, %arg1: memref<4096x64xf32, #tpu.memory_space<vmem>>, %arg2: memref<4096x64xf32, #tpu.memory_space<vmem>>, %arg3: memref<192x128xf32, #tpu.memory_space<vmem>>, %arg4: memref<1x128xf32, #tpu.memory_space<vmem>>, %arg5: memref<128x10xf32, #tpu.memory_space<vmem>>, %arg6: memref<1x10xf32, #tpu.memory_space<vmem>>, %arg7: memref<4096x10xf32, #tpu.memory_space<vmem>>) attributes {dimension_semantics = [], scalar_prefetch = 0 : i64, scratch_operands = 0 : i64, tpu.core_type = #tpu.core_type<tc>} {
    %get3A = arith.constant 0 : index
    %get3A_0 = arith.constant 0 : index
    %get3A_1 = vector.load %arg0[%get3A, %get3A_0] : memref<4096x64xf32, #tpu.memory_space<vmem>>, vector<4096x64xf32>
    %get3A_2 = arith.constant 0 : index
    %get3A_3 = arith.constant 0 : index
    %get3A_4 = vector.load %arg3[%get3A_2, %get3A_3] : memref<192x128xf32, #tpu.memory_space<vmem>>, vector<64x128xf32>
    %dot_general3A = arith.constant dense<0.000000e+00> : vector<4096x128xf32>
    %dot_general3A_5 = tpu.matmul %get3A_1, %get3A_4, %dot_general3A {dimension_numbers = #tpu.dot_dimension_numbers<[1], [0], [0], [1], [0, 0, 1, 1], [], []>, transpose_lhs_hint = false} : vector<4096x64xf32>, vector<64x128xf32>, vector<4096x128xf32> -> vector<4096x128xf32>
    %get3A_6 = arith.constant 0 : index
    %get3A_7 = arith.constant 0 : index
    %get3A_8 = vector.load %arg1[%get3A_6, %get3A_7] : memref<4096x64xf32, #tpu.memory_space<vmem>>, vector<4096x64xf32>
    %get3A_9 = arith.constant 64 : index
    %get3A_10 = arith.constant 0 : index
    %get3A_11 = vector.load %arg3[%get3A_9, %get3A_10] : memref<192x128xf32, #tpu.memory_space<vmem>>, vector<64x128xf32>
    %dot_general3A_12 = arith.constant dense<0.000000e+00> : vector<4096x128xf32>
    %dot_general3A_13 = tpu.matmul %get3A_8, %get3A_11, %dot_general3A_12 {dimension_numbers = #tpu.dot_dimension_numbers<[1], [0], [0], [1], [0, 0, 1, 1], [], []>, transpose_lhs_hint = false} : vector<4096x64xf32>, vector<64x128xf32>, vector<4096x128xf32> -> vector<4096x128xf32>
    %add3A = arith.addf %dot_general3A_5, %dot_general3A_13 : vector<4096x128xf32>
    %get3A_14 = arith.constant 0 : index
    %get3A_15 = arith.constant 0 : index
    %get3A_16 = vector.load %arg2[%get3A_14, %get3A_15] : memref<4096x64xf32, #tpu.memory_space<vmem>>, vector<4096x64xf32>
    %get3A_17 = arith.constant 128 : index
    %get3A_18 = arith.constant 0 : index
    %get3A_19 = vector.load %arg3[%get3A_17, %get3A_18] : memref<192x128xf32, #tpu.memory_space<vmem>>, vector<64x128xf32>
    %dot_general3A_20 = arith.constant dense<0.000000e+00> : vector<4096x128xf32>
    %dot_general3A_21 = tpu.matmul %get3A_16, %get3A_19, %dot_general3A_20 {dimension_numbers = #tpu.dot_dimension_numbers<[1], [0], [0], [1], [0, 0, 1, 1], [], []>, transpose_lhs_hint = false} : vector<4096x64xf32>, vector<64x128xf32>, vector<4096x128xf32> -> vector<4096x128xf32>
    %add3A_22 = arith.addf %add3A, %dot_general3A_21 : vector<4096x128xf32>
    %get3A_23 = arith.constant 0 : index
    %get3A_24 = arith.constant 0 : index
    %get3A_25 = vector.load %arg4[%get3A_23, %get3A_24] : memref<1x128xf32, #tpu.memory_space<vmem>>, vector<1x128xf32>
    %add3A_26 = vector.broadcast %get3A_25 : vector<1x128xf32> to vector<4096x128xf32>
    %add3A_27 = arith.addf %add3A_22, %add3A_26 : vector<4096x128xf32>
    %max3A = arith.constant 0.000000e+00 : f32
    %max3A_28 = vector.broadcast %max3A : f32 to vector<4096x128xf32>
    %max3A_29 = arith.maximumf %add3A_27, %max3A_28 : vector<4096x128xf32>
    %get3A_30 = arith.constant 0 : index
    %get3A_31 = arith.constant 0 : index
    %get3A_32 = vector.load %arg5[%get3A_30, %get3A_31] : memref<128x10xf32, #tpu.memory_space<vmem>>, vector<128x10xf32>
    %dot_general3A_33 = arith.constant dense<0.000000e+00> : vector<4096x10xf32>
    %dot_general3A_34 = tpu.matmul %max3A_29, %get3A_32, %dot_general3A_33 {dimension_numbers = #tpu.dot_dimension_numbers<[1], [0], [0], [1], [0, 0, 1, 1], [], []>, transpose_lhs_hint = false} : vector<4096x128xf32>, vector<128x10xf32>, vector<4096x10xf32> -> vector<4096x10xf32>
    %get3A_35 = arith.constant 0 : index
    %get3A_36 = arith.constant 0 : index
    %get3A_37 = vector.load %arg6[%get3A_35, %get3A_36] : memref<1x10xf32, #tpu.memory_space<vmem>>, vector<1x10xf32>
    %add3A_38 = vector.broadcast %get3A_37 : vector<1x10xf32> to vector<4096x10xf32>
    %add3A_39 = arith.addf %dot_general3A_34, %add3A_38 : vector<4096x10xf32>
    %swap3A = arith.constant 0 : index
    %swap3A_40 = arith.constant 0 : index
    %swap3A_41 = vector.load %arg7[%swap3A, %swap3A_40] : memref<4096x10xf32, #tpu.memory_space<vmem>>, vector<4096x10xf32>
    tpu.vector_store %arg7[%swap3A, %swap3A_40], %add3A_39 {strides = array<i32>} : memref<4096x10xf32, #tpu.memory_space<vmem>>, vector<4096x10xf32>,
    return
  }
}

</mosaic_0001>

<sc_bundles>
// kernel: kernel.12.cloned.1.call-start
scs
__scs_entry_jumppad:
0x0: {  	(pc) =	sbr.rel $0x88, $3  }
0x1: {  	(tag) =	ssettag $0x0;
	lr =	simm.s32 $0x1  }
0x2: {  	[smem:$0x3F97] =	sst lr;
	_ =	strace $0xD0000000  }
0x3: {  	_ = 	snop  }
0x4: {  	_ = 	snop  }
0x5: {  	_ = 	snop  }
0x6: {  	_ = 	snop  }
0x7: {  	_ = 	snop  }
__scs_overlays_trampoline_lowered:
0x8: {  	[smem:$0x3FA6] =	sst s0  }
0x9: {  	[smem:$0x3FA7] =	sst s1  }
0xa: {  	[smem:$0x3FA8] =	sst s2  }
0xb: {  	[smem:$0x3FA9] =	sst s3  }
0xc: {  	[smem:$0x3FAA] =	sst s4  }
0xd: {  	[smem:$0x3FAB] =	sst s5  }
0xe: {  	[smem:$0x3FAC] =	sst s6  }
0xf: {  	[smem:$0x3FAD] =	sst s7  }
0x10: {  	[smem:$0x3FAE] =	sst s8  }
0x11: {  	[smem:$0x3FAF] =	sst s9;
	s0 =	simm.s32 @!p0 $0x0  }
0x12: {  	s1 =	sld [smem:$0x3F95];
	s0 =	simm.s32 @p0 $0x1  }
0x13: {  	[smem:$0x3FB0] =	sst s0;
	s0 =	simm.s32 @!p1 $0x0  }
0x14: {  	s2 =	sld [smem:$0x3F94];
	s0 =	simm.s32 @p1 $0x1  }
0x15: {  	[smem:$0x3FB1] =	sst s0;
	s0 =	simm.s32 @!p2 $0x0  }
0x16: {  	s3 =	sld [smem:$0x3FDB];
	s0 =	simm.s32 @p2 $0x1  }
0x17: {  	s4 =	simm.s32 $0x1BF5;
	[smem:$0x3FB3] =	sst s0  }
0x18: {  	s0 =	sld [smem:$0x3F96];
	_ =	swait.ge [sflag:s4], $0x0  }
0x19: {  	s7 =	sld [smem:$0x3F97]  }
0x1a: {  	s8 =	sadd.s32 $0xFFFFE003, lr  }
0x1b: {  	s9 =	sadd.s32 $0xFFFFFEF7, lr;
	s5 =	simm.s32 $0xFFFFFFFF;
	p2 =	slt.u32 s8, $0xFFFFF086  }
0x1c: {  	p1 =	slt.u32 s9, $0xF7A;
	s5 =	simm.s32 @!p2 $0x0  }
0x1d: {  	s5 =	simm.s32 @p1 $0x1;
	p0 =	seq.s32 s7, s2  }
0x1e: {  	s7 =	smul.u32 @!p0 $0xF7A, s2;
	p2 =	seq.s32 @!p0 s5, $0x0  }
0x1f: {  	s9 =	smul.u32 $0xF7A, s1;
	s8 =	simm.s32 @!p0 $0x1BF5;
	p2 =	por !p2, p0  }
0x20: {  	[sflag:s8] =	ssyncset.s32 @!p0 $0xFFFFF086;
	s6 =	sadd.s32 @!p0 s3, s7;
	s7 =	simm.s32 @!p0 $0x108  }
0x21: {  	s3 =	sadd.s32 s3, s9;
	s6 =	sadd.s32 @!p0 $0x88, s6;
	s7 =	simm.s32 @p2 $0x1082  }
0x22: {  	[simem:s7], [sflag:s8] =	dma.local @!p0 [hbm:s6], $0xF7A  }
0x23: {  	s9 =	sor.u32 $0xD0000000, s2;
	s6 =	simm.s32 $0x108;
	_ =	swait.ge @!p0 [sflag:s8], $0x0  }
0x24: {  	s3 =	sadd.s32 $0x88, s3;
	s6 =	simm.s32 @!p1 $0x1082;
	[sflag:s4] =	ssyncset.s32 $0xFFFFF086  }
0x25: {  	[simem:s6], [sflag:s4] =	dma.local [hbm:s3], $0xF7A  }
0x26: {  	[smem:$0x3F97] =	sst s1;
	(tag) =	ssettag s2;
	_ =	strace s9  }
0x27: {  	s1 =	sld [smem:$0x3FA7]  }
0x28: {  	s2 =	sld [smem:$0x3FA8]  }
0x29: {  	s4 =	sld [smem:$0x3FAA]  }
0x2a: {  	p0 =	seq.s32 s5, $0x0;
	s5 =	sld [smem:$0x3FAB]  }
0x2b: {  	s6 =	sld [smem:$0x3FAC]  }
0x2c: {  	s7 =	sld [smem:$0x3FAD]  }
0x2d: {  	s3 =	simm.s32 $0x108;
	s8 =	sld [smem:$0x3FAE]  }
0x2e: {  	s3 =	simm.s32 @!p0 $0x1082;
	s9 =	sld [smem:$0x3FAF]  }
0x2f: {  	lr =	sadd.s32 s0, s3;
	s0 =	sld [smem:$0x3FA6]  }
0x30: {  	s3 =	sld [smem:$0x3FA9]  }
0x31: {  	[smem:$0x3FB2] =	sst s10  }
0x32: {  	s10 =	sld [smem:$0x3FB0];
	_ =	sdelay $0x3  }
0x33: {  	p0 =	seq.s32 s10, $0x1;
	s10 =	sld [smem:$0x3FB2];
	_ =	sdelay $0x3  }
0x34: {  	[smem:$0x3FB2] =	sst s10  }
0x35: {  	s10 =	sld [smem:$0x3FB1];
	_ =	sdelay $0x3  }
0x36: {  	p1 =	seq.s32 s10, $0x1;
	s10 =	sld [smem:$0x3FB2];
	_ =	sdelay $0x3  }
0x37: {  	[smem:$0x3FB2] =	sst s10  }
0x38: {  	s10 =	sld [smem:$0x3FB3]  }
0x39: {  	_ = 	snop;
	(pc) =	sbr.ind lr, $3  }
0x3a: {  	_ = 	snop  }
0x3b: {  	_ = 	snop  }
0x3c: {  	p2 =	seq.s32 s10, $0x1;
	s10 =	sld [smem:$0x3FB2]  }
0x3d: {  	_ =	shalt  }
0x3e: {  	_ =	shalt  }
0x3f: {  	_ =	shalt  }
0x40: {  	_ =	shalt  }
0x41: {  	_ =	shalt  }
0x42: {  	_ =	shalt  }
0x43: {  	_ =	shalt  }
0x44: {  	_ =	shalt  }
0x45: {  	_ =	shalt  }
0x46: {  	_ =	shalt  }
0x47: {  	_ =	shalt  }
0x48: {  	_ =	shalt  }
0x49: {  	_ =	shalt  }
0x4a: {  	_ =	shalt  }
0x4b: {  	_ =	shalt  }
0x4c: {  	_ =	shalt  }
0x4d: {  	_ =	shalt  }
0x4e: {  	_ =	shalt  }
0x4f: {  	_ =	shalt  }
0x50: {  	_ =	shalt  }
0x51: {  	_ =	shalt  }
0x52: {  	_ =	shalt  }
0x53: {  	_ =	shalt  }
0x54: {  	_ =	shalt  }
0x55: {  	_ =	shalt  }
0x56: {  	_ =	shalt  }
0x57: {  	_ =	shalt  }
0x58: {  	_ =	shalt  }
0x59: {  	_ =	shalt  }
0x5a: {  	_ =	shalt  }
0x5b: {  	_ =	shalt  }
0x5c: {  	_ =	shalt  }
0x5d: {  	_ =	shalt  }
0x5e: {  	_ =	shalt  }
0x5f: {  	_ =	shalt  }
0x60: {  	_ =	shalt  }
0x61: {  	_ =	shalt  }
0x62: {  	_ =	shalt  }
0x63: {  	_ =	shalt  }
0x64: {  	_ =	shalt  }
0x65: {  	_ =	shalt  }
0x66: {  	_ =	shalt  }
0x67: {  	_ =	shalt  }
0x68: {  	_ =	shalt  }
0x69: {  	_ =	shalt  }
0x6a: {  	_ =	shalt  }
0x6b: {  	_ =	shalt  }
0x6c: {  	_ =	shalt  }
0x6d: {  	_ =	shalt  }
0x6e: {  	_ =	shalt  }
0x6f: {  	_ =	shalt  }
0x70: {  	_ =	shalt  }
0x71: {  	_ =	shalt  }
0x72: {  	_ =	shalt  }
0x73: {  	_ =	shalt  }
0x74: {  	_ =	shalt  }
0x75: {  	_ =	shalt  }
0x76: {  	_ =	shalt  }
0x77: {  	_ =	shalt  }
0x78: {  	_ =	shalt  }
0x79: {  	_ =	shalt  }
0x7a: {  	_ =	shalt  }
0x7b: {  	_ =	shalt  }
0x7c: {  	_ =	shalt  }
0x7d: {  	_ =	shalt  }
0x7e: {  	_ =	shalt  }
0x7f: {  	_ =	shalt  }
0x80: {  	_ =	shalt  }
0x81: {  	_ =	shalt  }
0x82: {  	_ =	shalt  }
0x83: {  	_ =	shalt  }
0x84: {  	_ =	shalt  }
0x85: {  	_ =	shalt  }
0x86: {  	_ =	shalt  }
0x87: {  	_ =	shalt  }
.Lfunc_end0:
.L_simem_size_0:
called_computation.2_lowered:
.L_overlay_start_0:
0x88: {  	s2 =	sld [smem:$0x3FD9]  }
0x89: {  	s3 =	sld [smem:$0x3FFE];
	_ =	sdelay $0x1  }
0x8a: {  	s1 =	srdreg.scid  }
0x8b: {  	s0 =	sand.u32 $0x1, s1  }
0x8c: {  	s16 =	sshll.u32 s0, $0xA;
	s2 =	sadd.s32 s3, s2  }
0x8d: {  	s2 =	sadd.s32 s2, s16  }
0x8e: {  	[smem:$0x3FBE] =	sst s2  }
0x8f: {  	_ = 	snop  }
0x90: {  	(tm) =	ssettm $0x1  }
0x91: {  	s17 =	sld [smem:$0x3FFB];
	_ =	sdelay $0x3  }
0x92: {  	_ =	strace s17  }
0x93: {  	s2 =	sld [smem:$0x3FFC];
	_ =	sdelay $0x3  }
0x94: {  	_ =	strace s2  }
0x95: {  	s2 =	sld [smem:$0x3FFD];
	_ =	sdelay $0x3  }
0x96: {  	_ =	strace s2  }
0x97: {  	_ =	strace $0x8FFFFFFF  }
0x98: {  	s18 =	sld [smem:$0x3FDB];
	_ =	sdelay $0x1  }
0x99: {  	s19 =	simm.s32 $_scs_section_size  }
0x9a: {  	s4 =	simm.s32 $_size__tile_overlayer_lowered;
	s5 =	simm.s32 $_tile_overlayer_lowered  }
0x9b: {  	s22 =	simm.s32 $0x1BFF;
	s21 =	sshll.u32 s5, $0x1;
	s2 =	sadd.s32 s19, s18  }
0x9c: {  	s6 =	simm.s32 $0x0;
	s20 =	sshll.u32 s4, $0x1;
	s4 =	sadd.s32 s21, s2  }
0x9d: {  	[timem:s6], [sflag:s22] =	dma.local [hbm:s4], s20  }
0x9e: {  	_ =	swait.ge [sflag:s22], s20  }
0x9f: {  	s3 =	ssub.s32 $0x0, s20;
	[sflag:s22] =	ssyncset.done $0x0  }
0xa0: {  	[sflag:s22] =	ssyncadd.s32 s3;
	_ =	sdelay $0x1  }
0xa1: {  	s23 =	simm.s32 $0x1B8B  }
0xa2: {  	_ =	swait.ge [sflag:s23], $0x1  }
0xa3: {  	[sflag:s23] =	ssyncset.done $0x0  }
0xa4: {  	s25 =	simm.s32 $0x1B8E;
	s24 =	sld [smem:$0x3FFE];
	[sflag:s23] =	ssyncadd.s32 $0xFFFFFFFF  }
0xa5: {  	s26 =	simm.s32 $execute0_lowered;
	[smem:$0x3FD2] =	sst s25  }
0xa6: {  	s4 =	sshll.u32 s26, $0x1;
	_ =	strace $0x80000046;
	[dreg:$0x1] =	wrdreg $0xFFFFFFFF  }
0xa7: {  	s28 =	simm.s32 $_size_execute0_lowered;
	s2 =	sadd.s32 s2, s4;
	[dreg:$0x0] =	wrdreg $0x0  }
0xa8: {  	s4 =	sshll.u32 s28, $0x1;
	[dreg:$0x2] =	wrdreg s2  }
0xa9: {  	[dreg:$0x3] =	wrdreg s4  }
0xaa: {  	[dreg:$0x4] =	wrdreg $0xC0  }
0xab: {  	_ =	task [dreg:s6], $0x5FFFF  }
0xac: {  	[dreg:$0x1] =	wrdreg $0xFFFFFFFF  }
0xad: {  	[dreg:$0x0] =	wrdreg $0x60  }
0xae: {  	[dreg:$0x2] =	wrdreg s24  }
0xaf: {  	[dreg:$0x3] =	wrdreg $0xB  }
0xb0: {  	_ =	task.clear_ibuf [dreg:s6], $0x4FFFF;
	_ =	strace $0x90000046  }
0xb1: {  	s29 =	simm.s32 $0xB;
	_ =	strace $0x80000048  }
0xb2: {  	_ =	swait.ge [sflag:s29], $0x1  }
0xb3: {  	[sflag:s29] =	ssyncadd.s32 $0xFFFFFFFF  }
0xb4: {  	_ =	strace $0x90000048  }
0xb5: {  	_ =	sfence  }
0xb6: {  	s30 =	sld [smem:$0x0];
	_ =	sdelay $0x2  }
0xb7: {  	s31 =	sshll.u32 s1, $0xD;
	s1 =	sshrl.u32 s1, $0x2  }
0xb8: {  	s3 =	sand.u32 $0x4000, s31;
	s1 =	sadd.s32 s1, s30  }
0xb9: {  	s0 =	sor.u32 s3, s0;
	s1 =	sshll.u32 s1, $0x11  }
0xba: {  	s0 =	sor.u32 s1, s0  }
0xbb: {  	s0 =	sadd.s32 $0x8F2B, s0  }
0xbc: {  	[sflag:s0] =	ssyncadd.remote.s32 $0x1  }
0xbd: {  	_ =	sfence.sel $0xFFFF  }
0xbe: {  	[dreg:$0x0] =	wrdreg $0xFFFFFFFF;
	(pc) =	sbr.abs _section_cstart, $3  }
0xbf: {  	[dreg:$0x1] =	wrdreg $0xFFFFFFFF  }
0xc0: {  	_ =	task.clear_ibuf [dreg:s6], $0x2FFFF;
	_ =	strace $0x9FFFFFFF  }
0xc1: {  	(tm) =	ssettm $0x7FFFFFFF  }
tec
execute0_lowered:
.L_overlay_start_1:
0x0: {  	(tag) =	ssettag $0x1  }
0x1: {  	s1 =	srdreg.scid;
	s0 =	stileid.u32  }
0x2: {  	s4 =	rddreg [dreg:$0x0];
	s9 =	simm.s32 $0x6400;
	s10 =	simm.s32 $0x60  }
0x3: {  	s11 =	simm.s32 $0x7E00;
	s12 =	simm.s32 $0x9800;
	s13 =	simm.s32 $0x1  }
0x4: {  	s14 =	simm.s32 $0xB200;
	s15 =	simm.s32 $0x2;
	s16 =	simm.s32 $0x3  }
0x5: {  	s17 =	simm.s32 $0x4;
	s18 =	simm.s32 $0xCC00;
	s19 =	simm.s32 $0x0  }
0x6: {  	s3 =	sand.u32 $0x1, s1;
	s31 =	sshll.u32 s0, $0x8;
	s1 =	rddreg [dreg:$0x1]  }
0x7: {  	s2 =	sshll.u32 s3, $0x7;
	s7 =	ssub.s32 $0x2, s3;
	s3 =	sadd.s32 $0xF43E00, s4  }
0x8: {  	s5 =	sor.u32 s2, s31;
	s2 =	simm.s32 $0x0;
	s8 =	sshrl.u32 s7, $0x1  }
0x9: {  	s6 =	smul.u32 $0x19, s5;
	[smem:$0x7FF] =	sst s2;
	s5 =	sshll.u32 s5, $0x3  }
0xa: {  	s7 =	ssub.s32 s7, s8;
	s8 =	simm.s32 $0x68;
	s5 =	sadd.s32 s5, s4  }
0xb: {  	_ =	strace $0x80000047;
	s6 =	sadd.s32 s6, s4;
	s5 =	sadd.s32 $0x1AA00, s5  }
0xc: {  	s4 =	sadd.s32 $0x1A00, s6;
	s6 =	smax.u32 s7, $0x1;
	s7 =	simm.s32 $0x5  }
.LBB2_1:
0xd: {  	[tilespmem:s2], [sflag:$0x5] =	stream.linear.gather [hbm4b:s4+s2], $0x6400, $0x38;
	[tilespmem:$0xEC00] =	vst v63  }
0xe: {  	_ =	swait.ge [sflag:s7], $0x6400  }
0xf: {  	[sflag:s7] =	ssyncset.done $0x0  }
0x10: {  	[sflag:s7] =	ssyncadd.s32 $0xFFFF9C00  }
0x11: {  	[tilespmem:s9], [sflag:$0x1] =	stream.indirect.gather [hbm4b:s3+s8], $0x40, s2, s8, $0xb8;
	[tilespmem:$0xEC00] =	vst v63  }
0x12: {  	s20 =	simm.s32 $0x0  }
0x13: {  	[tilespmem:s11], [sflag:$0x2] =	stream.indirect.gather [hbm4b:s3+s10], $0x40, s8, s10, $0xb8;
	[tilespmem:$0xEC00] =	vst v63  }
.LBB2_2:
0x14: {  	s21 =	sshllo.u32 s20, $0x1  }
0x15: {  	s22 =	smul.u32 $0x320, s21;
	_ =	sdelay $0x1  }
0x16: {  	s22 =	sshra.s32 s22, $0x2  }
0x17: {  	[tilespmem:s12], [sflag:$0x3] =	stream.indirect.gather [hbm4b:s3+s8], $0x40, s22, s8, $0xb8;
	[tilespmem:$0xEC00] =	vst v63  }
0x18: {  	_ =	swait.ge [sflag:s13], $0x1A00  }
0x19: {  	[sflag:s13] =	ssyncset.done $0x0  }
0x1a: {  	s24 =	simm.s32 $0x0;
	[sflag:s13] =	ssyncadd.s32 $0xFFFFE600  }
0x1b: {  	v1 =	vld [tilespmem:s24+$0x6430]  }
0x1c: {  	v2 =	vld [tilespmem:s24+$0x6400]  }
0x1d: {  	v0 =	vimm.f32 $0.0e+00;
	v3 =	vld [tilespmem:s24+$0x6410]  }
0x1e: {  	s23 =	simm.s32 $0x100;
	v7 =	vimm.f32 $0.0e+00;
	v5 =	vimm.f32 $0.0e+00;
	v6 =	vimm.f32 $0.0e+00;
	v4 =	vld [tilespmem:s24+$0x6420]  }
.LBB2_3:
0x1f: {  	p0 =	sne.s32 s23, $0x6700  }
.Ltmp0:
0x20: {  	s24 =	sshra.s32 s23, $0x2;
	s23 =	sadd.s32 $0x100, s23;
	v0 =	vadd.f32 v1, v0;
	(pc) =	sbr.rel @p0 .LBB2_3-.Ltmp0, $4  }
0x21: {  	v1 =	vld [tilespmem:s24+$0x6430];
	v7 =	vadd.f32 v2, v7  }
0x22: {  	v2 =	vld [tilespmem:s24+$0x6400];
	v5 =	vadd.f32 v3, v5  }
0x23: {  	v3 =	vld [tilespmem:s24+$0x6410];
	v6 =	vadd.f32 v4, v6  }
0x24: {  	v4 =	vld [tilespmem:s24+$0x6420]  }
0x25: {  	s22 =	sadd.s32 $0x68, s22  }
0x26: {  	[tilespmem:s14], [sflag:$0x4] =	stream.indirect.gather [hbm4b:s3+s10], $0x40, s22, s10, $0xb8;
	[tilespmem:$0xEC00] =	vst v63  }
0x27: {  	_ =	swait.ge [sflag:s15], $0x1800  }
0x28: {  	[sflag:s15] =	ssyncset.done $0x0  }
0x29: {  	s23 =	simm.s32 $0x0;
	[sflag:s15] =	ssyncadd.s32 $0xFFFFE800  }
0x2a: {  	v8 =	vld [tilespmem:s23+$0x7E30]  }
0x2b: {  	v9 =	vld [tilespmem:s23+$0x7E00]  }
0x2c: {  	v0 =	vadd.f32 v1, v0;
	v1 =	vadd.f32 v2, v7;
	v7 =	vld [tilespmem:s23+$0x7E10]  }
0x2d: {  	s22 =	simm.s32 $0x100;
	v2 =	vadd.f32 v3, v5;
	v3 =	vadd.f32 v4, v6;
	v4 =	vld [tilespmem:s23+$0x7E20]  }
.LBB2_5:
0x2e: {  	p0 =	sne.s32 s22, $0x5F00  }
.Ltmp1:
0x2f: {  	s23 =	sshra.s32 s22, $0x2;
	s22 =	sadd.s32 $0x100, s22;
	v0 =	vadd.f32 v8, v0;
	(pc) =	sbr.rel @p0 .LBB2_5-.Ltmp1, $4  }
0x30: {  	v8 =	vld [tilespmem:s23+$0x7E30];
	v1 =	vadd.f32 v9, v1  }
0x31: {  	v9 =	vld [tilespmem:s23+$0x7E00];
	v2 =	vadd.f32 v7, v2  }
0x32: {  	v7 =	vld [tilespmem:s23+$0x7E10];
	v3 =	vadd.f32 v4, v3  }
0x33: {  	v4 =	vld [tilespmem:s23+$0x7E20]  }
0x34: {  	_ = 	snop  }
0x35: {  	v0 =	vadd.f32 v8, v0  }
0x36: {  	v1 =	vadd.f32 v9, v1  }
0x37: {  	s22 =	sshll.u32 s20, $0x7;
	v2 =	vadd.f32 v7, v2;
	v0 =	vmul.f32 $4.999999890e-03, v0  }
0x38: {  	p0 =	seq.s32 s20, $0x3F;
	s23 =	sand.u32 $0x3FFFFF80, s22;
	v3 =	vadd.f32 v4, v3;
	v1 =	vmul.f32 $4.999999890e-03, v1  }
0x39: {  	s22 =	smul.u32 @!p0 $0x640, s20;
	v2 =	vmul.f32 $4.999999890e-03, v2;
	[tilespmem:s23+$0xCC30] =	vst v0  }
0x3a: {  	[tilespmem:s23+$0xCC00] =	vst v1;
	v1 =	vmul.f32 $4.999999890e-03, v3  }
0x3b: {  	s22 =	sshra.s32 @!p0 s22, $0x2;
	[tilespmem:s23+$0xCC10] =	vst v2  }
0x3c: {  	s24 =	simm.s32 @!p0 $0x68;
	s25 =	simm.s32 @!p0 $0x6400;
	[tilespmem:s23+$0xCC20] =	vst v1;
	s23 =	sadd.s32 @!p0 $0x190, s22  }
0x3d: {  	[tilespmem:s25], [sflag:$0x1] =	stream.indirect.gather @!p0 [hbm4b:s3+s24], $0x40, s23, s24, $0xb8;
	[tilespmem:$0xEC00] =	vst v63  }
0x3e: {  	_ =	swait.ge [sflag:s16], $0x1A00  }
0x3f: {  	[sflag:s16] =	ssyncset.done $0x0  }
0x40: {  	s31 =	simm.s32 $0x0;
	[sflag:s16] =	ssyncadd.s32 $0xFFFFE600  }
0x41: {  	v1 =	vld [tilespmem:s31+$0x9830]  }
0x42: {  	v2 =	vld [tilespmem:s31+$0x9800]  }
0x43: {  	v5 =	vimm.f32 $0.0e+00;
	v3 =	vld [tilespmem:s31+$0x9810]  }
0x44: {  	v6 =	vimm.f32 $0.0e+00;
	v7 =	vimm.f32 $0.0e+00;
	v0 =	vimm.f32 $0.0e+00;
	s23 =	simm.s32 $0x100;
	v4 =	vld [tilespmem:s31+$0x9820]  }
.LBB2_7:
0x45: {  	p1 =	sne.s32 s23, $0x6700  }
.Ltmp2:
0x46: {  	s24 =	sshra.s32 s23, $0x2;
	s23 =	sadd.s32 $0x100, s23;
	v0 =	vadd.f32 v1, v0;
	(pc) =	sbr.rel @p1 .LBB2_7-.Ltmp2, $4  }
0x47: {  	v1 =	vld [tilespmem:s24+$0x9830];
	v7 =	vadd.f32 v2, v7  }
0x48: {  	v2 =	vld [tilespmem:s24+$0x9800];
	v5 =	vadd.f32 v3, v5  }
0x49: {  	v3 =	vld [tilespmem:s24+$0x9810];
	v6 =	vadd.f32 v4, v6  }
0x4a: {  	v4 =	vld [tilespmem:s24+$0x9820]  }
0x4b: {  	s22 =	sadd.s32 @!p0 $0x1F8, s22;
	s23 =	simm.s32 @!p0 $0x60;
	s24 =	simm.s32 @!p0 $0x7E00  }
0x4c: {  	[tilespmem:s24], [sflag:$0x2] =	stream.indirect.gather @!p0 [hbm4b:s3+s23], $0x40, s22, s23, $0xb8;
	[tilespmem:$0xEC00] =	vst v63  }
0x4d: {  	_ =	swait.ge [sflag:s17], $0x1800  }
0x4e: {  	[sflag:s17] =	ssyncset.done $0x0  }
0x4f: {  	s31 =	simm.s32 $0x0;
	[sflag:s17] =	ssyncadd.s32 $0xFFFFE800  }
0x50: {  	v8 =	vld [tilespmem:s31+$0xB230]  }
0x51: {  	v9 =	vld [tilespmem:s31+$0xB200]  }
0x52: {  	v0 =	vadd.f32 v1, v0;
	v1 =	vadd.f32 v2, v7;
	v7 =	vld [tilespmem:s31+$0xB210]  }
0x53: {  	s22 =	simm.s32 $0x100;
	v2 =	vadd.f32 v3, v5;
	v3 =	vadd.f32 v4, v6;
	v4 =	vld [tilespmem:s31+$0xB220]  }
.LBB2_9:
0x54: {  	p0 =	sne.s32 s22, $0x5F00  }
.Ltmp3:
0x55: {  	s23 =	sshra.s32 s22, $0x2;
	s22 =	sadd.s32 $0x100, s22;
	v0 =	vadd.f32 v8, v0;
	(pc) =	sbr.rel @p0 .LBB2_9-.Ltmp3, $4  }
0x56: {  	v8 =	vld [tilespmem:s23+$0xB230];
	v1 =	vadd.f32 v9, v1  }
0x57: {  	v9 =	vld [tilespmem:s23+$0xB200];
	v2 =	vadd.f32 v7, v2  }
0x58: {  	v7 =	vld [tilespmem:s23+$0xB210];
	v3 =	vadd.f32 v4, v3  }
0x59: {  	v4 =	vld [tilespmem:s23+$0xB220]  }
0x5a: {  	_ = 	snop  }
0x5b: {  	v0 =	vadd.f32 v8, v0  }
0x5c: {  	s20 =	sadd.s32 $0x1, s20;
	v1 =	vadd.f32 v9, v1  }
0x5d: {  	s21 =	sshll.u32 s21, $0x6;
	p0 =	sne.s32 s20, $0x40;
	v2 =	vadd.f32 v7, v2;
	v0 =	vmul.f32 $4.999999890e-03, v0  }
.Ltmp4:
0x5e: {  	s21 =	sand.u32 $0x3FFFFFC0, s21;
	v3 =	vadd.f32 v4, v3;
	v1 =	vmul.f32 $4.999999890e-03, v1;
	(pc) =	sbr.rel @p0 .LBB2_2-.Ltmp4, $4  }
0x5f: {  	v2 =	vmul.f32 $4.999999890e-03, v2;
	[tilespmem:s21+$0xCC30] =	vst v0  }
0x60: {  	[tilespmem:s21+$0xCC00] =	vst v1;
	v63 =	vmul.f32 $4.999999890e-03, v3  }
0x61: {  	[tilespmem:s21+$0xCC10] =	vst v2  }
0x62: {  	[tilespmem:s21+$0xCC20] =	vst v63  }
0x63: {  	s19 =	sadd.s32 $0x1, s19  }
0x64: {  	p0 =	sne.s32 s19, s6  }
.Ltmp5:
0x65: {  	_ = 	snop;
	(pc) =	sbr.rel @p0 .LBB2_1-.Ltmp5, $4  }
0x66: {  	[hbm4b:s5+s2] =	stream.linear.scatter [tilespmem:s18], [sflag:$0x5], $0x2000, $0x38;
	[tilespmem:$0xEC00] =	vst v63  }
0x67: {  	_ =	swait.ge [sflag:s7], $0x2000  }
0x68: {  	[sflag:s7] =	ssyncset.done $0x0  }
0x69: {  	[sflag:s7] =	ssyncadd.s32 $0xFFFFE000  }
0x6a: {  	_ =	sfence.sel $0x180000  }
0x6b: {  	[bflag:$0x0] =	sbarrier.arrive $0xFFFF  }
0x6c: {  	p0 =	sne.s32 s0, $0x0;
	_ =	strace $0x90000047  }
0x6d: {  	s0 =	sadd.s32 @!p0 $0x100000, s1;
	[bflag:$0x2] =	sbarrier.arrive $0xFFFF  }
0x6e: {  	[sflag:s0] =	ssyncadd.tile.s32 @!p0 $0x1;
	_ =	shalt  }
.Lfunc_end2:
_tile_overlayer_lowered:
.L_overlay_start_2:
0x6f: {  	(tag) =	ssettag $0x2  }
0x70: {  	s0 =	rddreg [dreg:$0x0];
	s2 =	stileid.u32  }
0x71: {  	s1 =	rddreg [dreg:$0x1];
	p0 =	sne.s32 s2, $0x0  }
0x72: {  	s3 =	rddreg [dreg:$0x2];
	[bflag:$0x3] =	sbarrier.arrive $0xFFFF;
	s2 =	simm.s32 @!p0 $0x1C05  }
0x73: {  	[timem:s3], [sflag:s2] =	dma.local @!p0 [hbm:s0], s1  }
0x74: {  	s0 =	simm.s32 @!p0 $0x5  }
0x75: {  	_ =	swait.ge @!p0 [sflag:s0], s1  }
0x76: {  	s1 =	ssub.s32 @!p0 $0x0, s1;
	[sflag:s0] =	ssyncset.done @!p0 $0x0  }
0x77: {  	[sflag:s0] =	ssyncadd.s32 @!p0 s1  }
0x78: {  	[bflag:$0x3] =	sbarrier.arrive $0xFFFF  }
0x79: {  	_ =	shalt  }

// kernel: kernel.6.cloned.1.call-start
scs
__scs_entry_jumppad:
0x0: {  	(pc) =	sbr.rel $0x88, $3  }
0x1: {  	(tag) =	ssettag $0x0;
	lr =	simm.s32 $0x1  }
0x2: {  	[smem:$0x3F97] =	sst lr;
	_ =	strace $0xD0000000  }
0x3: {  	_ = 	snop  }
0x4: {  	_ = 	snop  }
0x5: {  	_ = 	snop  }
0x6: {  	_ = 	snop  }
0x7: {  	_ = 	snop  }
__scs_overlays_trampoline_lowered:
0x8: {  	[smem:$0x3FA6] =	sst s0  }
0x9: {  	[smem:$0x3FA7] =	sst s1  }
0xa: {  	[smem:$0x3FA8] =	sst s2  }
0xb: {  	[smem:$0x3FA9] =	sst s3  }
0xc: {  	[smem:$0x3FAA] =	sst s4  }
0xd: {  	[smem:$0x3FAB] =	sst s5  }
0xe: {  	[smem:$0x3FAC] =	sst s6  }
0xf: {  	[smem:$0x3FAD] =	sst s7  }
0x10: {  	[smem:$0x3FAE] =	sst s8  }
0x11: {  	[smem:$0x3FAF] =	sst s9;
	s0 =	simm.s32 @!p0 $0x0  }
0x12: {  	s1 =	sld [smem:$0x3F95];
	s0 =	simm.s32 @p0 $0x1  }
0x13: {  	[smem:$0x3FB0] =	sst s0;
	s0 =	simm.s32 @!p1 $0x0  }
0x14: {  	s2 =	sld [smem:$0x3F94];
	s0 =	simm.s32 @p1 $0x1  }
0x15: {  	[smem:$0x3FB1] =	sst s0;
	s0 =	simm.s32 @!p2 $0x0  }
0x16: {  	s3 =	sld [smem:$0x3FDB];
	s0 =	simm.s32 @p2 $0x1  }
0x17: {  	s4 =	simm.s32 $0x1BF5;
	[smem:$0x3FB3] =	sst s0  }
0x18: {  	s0 =	sld [smem:$0x3F96];
	_ =	swait.ge [sflag:s4], $0x0  }
0x19: {  	s7 =	sld [smem:$0x3F97]  }
0x1a: {  	s8 =	sadd.s32 $0xFFFFE003, lr  }
0x1b: {  	s9 =	sadd.s32 $0xFFFFFEF7, lr;
	s5 =	simm.s32 $0xFFFFFFFF;
	p2 =	slt.u32 s8, $0xFFFFF086  }
0x1c: {  	p1 =	slt.u32 s9, $0xF7A;
	s5 =	simm.s32 @!p2 $0x0  }
0x1d: {  	s5 =	simm.s32 @p1 $0x1;
	p0 =	seq.s32 s7, s2  }
0x1e: {  	s7 =	smul.u32 @!p0 $0xF7A, s2;
	p2 =	seq.s32 @!p0 s5, $0x0  }
0x1f: {  	s9 =	smul.u32 $0xF7A, s1;
	s8 =	simm.s32 @!p0 $0x1BF5;
	p2 =	por !p2, p0  }
0x20: {  	[sflag:s8] =	ssyncset.s32 @!p0 $0xFFFFF086;
	s6 =	sadd.s32 @!p0 s3, s7;
	s7 =	simm.s32 @!p0 $0x108  }
0x21: {  	s3 =	sadd.s32 s3, s9;
	s6 =	sadd.s32 @!p0 $0x88, s6;
	s7 =	simm.s32 @p2 $0x1082  }
0x22: {  	[simem:s7], [sflag:s8] =	dma.local @!p0 [hbm:s6], $0xF7A  }
0x23: {  	s9 =	sor.u32 $0xD0000000, s2;
	s6 =	simm.s32 $0x108;
	_ =	swait.ge @!p0 [sflag:s8], $0x0  }
0x24: {  	s3 =	sadd.s32 $0x88, s3;
	s6 =	simm.s32 @!p1 $0x1082;
	[sflag:s4] =	ssyncset.s32 $0xFFFFF086  }
0x25: {  	[simem:s6], [sflag:s4] =	dma.local [hbm:s3], $0xF7A  }
0x26: {  	[smem:$0x3F97] =	sst s1;
	(tag) =	ssettag s2;
	_ =	strace s9  }
0x27: {  	s1 =	sld [smem:$0x3FA7]  }
0x28: {  	s2 =	sld [smem:$0x3FA8]  }
0x29: {  	s4 =	sld [smem:$0x3FAA]  }
0x2a: {  	p0 =	seq.s32 s5, $0x0;
	s5 =	sld [smem:$0x3FAB]  }
0x2b: {  	s6 =	sld [smem:$0x3FAC]  }
0x2c: {  	s7 =	sld [smem:$0x3FAD]  }
0x2d: {  	s3 =	simm.s32 $0x108;
	s8 =	sld [smem:$0x3FAE]  }
0x2e: {  	s3 =	simm.s32 @!p0 $0x1082;
	s9 =	sld [smem:$0x3FAF]  }
0x2f: {  	lr =	sadd.s32 s0, s3;
	s0 =	sld [smem:$0x3FA6]  }
0x30: {  	s3 =	sld [smem:$0x3FA9]  }
0x31: {  	[smem:$0x3FB2] =	sst s10  }
0x32: {  	s10 =	sld [smem:$0x3FB0];
	_ =	sdelay $0x3  }
0x33: {  	p0 =	seq.s32 s10, $0x1;
	s10 =	sld [smem:$0x3FB2];
	_ =	sdelay $0x3  }
0x34: {  	[smem:$0x3FB2] =	sst s10  }
0x35: {  	s10 =	sld [smem:$0x3FB1];
	_ =	sdelay $0x3  }
0x36: {  	p1 =	seq.s32 s10, $0x1;
	s10 =	sld [smem:$0x3FB2];
	_ =	sdelay $0x3  }
0x37: {  	[smem:$0x3FB2] =	sst s10  }
0x38: {  	s10 =	sld [smem:$0x3FB3]  }
0x39: {  	_ = 	snop;
	(pc) =	sbr.ind lr, $3  }
0x3a: {  	_ = 	snop  }
0x3b: {  	_ = 	snop  }
0x3c: {  	p2 =	seq.s32 s10, $0x1;
	s10 =	sld [smem:$0x3FB2]  }
0x3d: {  	_ =	shalt  }
0x3e: {  	_ =	shalt  }
0x3f: {  	_ =	shalt  }
0x40: {  	_ =	shalt  }
0x41: {  	_ =	shalt  }
0x42: {  	_ =	shalt  }
0x43: {  	_ =	shalt  }
0x44: {  	_ =	shalt  }
0x45: {  	_ =	shalt  }
0x46: {  	_ =	shalt  }
0x47: {  	_ =	shalt  }
0x48: {  	_ =	shalt  }
0x49: {  	_ =	shalt  }
0x4a: {  	_ =	shalt  }
0x4b: {  	_ =	shalt  }
0x4c: {  	_ =	shalt  }
0x4d: {  	_ =	shalt  }
0x4e: {  	_ =	shalt  }
0x4f: {  	_ =	shalt  }
0x50: {  	_ =	shalt  }
0x51: {  	_ =	shalt  }
0x52: {  	_ =	shalt  }
0x53: {  	_ =	shalt  }
0x54: {  	_ =	shalt  }
0x55: {  	_ =	shalt  }
0x56: {  	_ =	shalt  }
0x57: {  	_ =	shalt  }
0x58: {  	_ =	shalt  }
0x59: {  	_ =	shalt  }
0x5a: {  	_ =	shalt  }
0x5b: {  	_ =	shalt  }
0x5c: {  	_ =	shalt  }
0x5d: {  	_ =	shalt  }
0x5e: {  	_ =	shalt  }
0x5f: {  	_ =	shalt  }
0x60: {  	_ =	shalt  }
0x61: {  	_ =	shalt  }
0x62: {  	_ =	shalt  }
0x63: {  	_ =	shalt  }
0x64: {  	_ =	shalt  }
0x65: {  	_ =	shalt  }
0x66: {  	_ =	shalt  }
0x67: {  	_ =	shalt  }
0x68: {  	_ =	shalt  }
0x69: {  	_ =	shalt  }
0x6a: {  	_ =	shalt  }
0x6b: {  	_ =	shalt  }
0x6c: {  	_ =	shalt  }
0x6d: {  	_ =	shalt  }
0x6e: {  	_ =	shalt  }
0x6f: {  	_ =	shalt  }
0x70: {  	_ =	shalt  }
0x71: {  	_ =	shalt  }
0x72: {  	_ =	shalt  }
0x73: {  	_ =	shalt  }
0x74: {  	_ =	shalt  }
0x75: {  	_ =	shalt  }
0x76: {  	_ =	shalt  }
0x77: {  	_ =	shalt  }
0x78: {  	_ =	shalt  }
0x79: {  	_ =	shalt  }
0x7a: {  	_ =	shalt  }
0x7b: {  	_ =	shalt  }
0x7c: {  	_ =	shalt  }
0x7d: {  	_ =	shalt  }
0x7e: {  	_ =	shalt  }
0x7f: {  	_ =	shalt  }
0x80: {  	_ =	shalt  }
0x81: {  	_ =	shalt  }
0x82: {  	_ =	shalt  }
0x83: {  	_ =	shalt  }
0x84: {  	_ =	shalt  }
0x85: {  	_ =	shalt  }
0x86: {  	_ =	shalt  }
0x87: {  	_ =	shalt  }
.Lfunc_end0:
.L_simem_size_0:
called_computation_lowered:
.L_overlay_start_0:
0x88: {  	s2 =	sld [smem:$0x3FD9]  }
0x89: {  	s3 =	sld [smem:$0x3FFE];
	_ =	sdelay $0x1  }
0x8a: {  	s1 =	srdreg.scid  }
0x8b: {  	s0 =	sand.u32 $0x1, s1  }
0x8c: {  	s17 =	sshll.u32 s0, $0xA;
	s2 =	sadd.s32 s3, s2  }
0x8d: {  	s2 =	sadd.s32 s2, s17  }
0x8e: {  	[smem:$0x3FBE] =	sst s2  }
0x8f: {  	_ = 	snop  }
0x90: {  	(tm) =	ssettm $0x1  }
0x91: {  	s18 =	sld [smem:$0x3FFB];
	_ =	sdelay $0x3  }
0x92: {  	_ =	strace s18  }
0x93: {  	s2 =	sld [smem:$0x3FFC];
	_ =	sdelay $0x3  }
0x94: {  	_ =	strace s2  }
0x95: {  	s2 =	sld [smem:$0x3FFD];
	_ =	sdelay $0x3  }
0x96: {  	_ =	strace s2  }
0x97: {  	_ =	strace $0x8FFFFFFF  }
0x98: {  	s19 =	sld [smem:$0x3FDB];
	_ =	sdelay $0x1  }
0x99: {  	s20 =	simm.s32 $_scs_section_size  }
0x9a: {  	s4 =	simm.s32 $_size__tile_overlayer_lowered;
	s5 =	simm.s32 $_tile_overlayer_lowered  }
0x9b: {  	s6 =	simm.s32 $0x1BFF;
	s21 =	sshll.u32 s5, $0x1;
	s3 =	sadd.s32 s20, s19  }
0x9c: {  	s22 =	simm.s32 $0x0;
	s4 =	sshll.u32 s4, $0x1;
	s5 =	sadd.s32 s21, s3  }
0x9d: {  	[timem:s22], [sflag:s6] =	dma.local [hbm:s5], s4  }
0x9e: {  	_ =	swait.ge [sflag:s6], s4  }
0x9f: {  	s4 =	ssub.s32 $0x0, s4;
	[sflag:s6] =	ssyncset.done $0x0  }
0xa0: {  	[sflag:s6] =	ssyncadd.s32 s4;
	_ =	sdelay $0x1  }
0xa1: {  	s23 =	simm.s32 $0x1B8B  }
0xa2: {  	_ =	swait.ge [sflag:s23], $0x1  }
0xa3: {  	[sflag:s23] =	ssyncset.done $0x0  }
0xa4: {  	[sflag:s23] =	ssyncadd.s32 $0xFFFFFFFF  }
0xa5: {  	s4 =	sld [smem:$0x0]  }
0xa6: {  	s5 =	sand.u32 $0xFFFFFFFE, s1  }
0xa7: {  	p0 =	sne.s32 s1, s5  }
0xa8: {  	s5 =	sshll.u32 @p0 s5, $0xE  }
0xa9: {  	s5 =	sadd.s32 @p0 $0x11B8D, s5;
	s6 =	sshll.u32 @p0 s4, $0x11  }
0xaa: {  	s5 =	sor.u32 @p0 s6, s5  }
0xab: {  	[sflag:s5] =	ssyncadd.remote.s32 @p0 $0x1;
	_ =	sdelay $0x1  }
0xac: {  	s5 =	simm.s32 @p0 $0x1B8D  }
0xad: {  	_ =	swait.eq @p0 [sflag:s5], $0x1  }
0xae: {  	[sflag:s5] =	ssyncadd.s32 @p0 $0xFFFFFFFF  }
0xaf: {  	s6 =	sshll.u32 @!p0 s1, $0xE  }
0xb0: {  	s6 =	sor.u32 @!p0 $0x4000, s6;
	s5 =	simm.s32 @!p0 $0x1B8D  }
0xb1: {  	s4 =	sshll.u32 @!p0 s4, $0x11;
	s6 =	sadd.s32 @!p0 $0x11B8D, s6;
	_ =	swait.eq @!p0 [sflag:s5], $0x1  }
0xb2: {  	s4 =	sor.u32 @!p0 s4, s6;
	[sflag:s5] =	ssyncadd.s32 @!p0 $0xFFFFFFFF  }
0xb3: {  	s25 =	simm.s32 $0x1B8E;
	s24 =	sld [smem:$0x3FFE];
	[sflag:s4] =	ssyncadd.remote.s32 @!p0 $0x1  }
0xb4: {  	s26 =	simm.s32 $execute0_lowered;
	[smem:$0x3FD2] =	sst s25  }
0xb5: {  	s5 =	sshll.u32 s26, $0x1;
	_ =	strace $0x8000004C;
	[dreg:$0x1] =	wrdreg $0xFFFFFFFF  }
0xb6: {  	s28 =	simm.s32 $_size_execute0_lowered;
	s3 =	sadd.s32 s3, s5;
	[dreg:$0x0] =	wrdreg $0x0  }
0xb7: {  	s5 =	sshll.u32 s28, $0x1;
	[dreg:$0x2] =	wrdreg s3  }
0xb8: {  	[dreg:$0x3] =	wrdreg s5  }
0xb9: {  	[dreg:$0x4] =	wrdreg $0xC0  }
0xba: {  	_ =	task [dreg:s22], $0x5FFFF  }
0xbb: {  	[dreg:$0x1] =	wrdreg $0xFFFFFFFF  }
0xbc: {  	[dreg:$0x0] =	wrdreg $0x60  }
0xbd: {  	[dreg:$0x2] =	wrdreg s24  }
0xbe: {  	[dreg:$0x3] =	wrdreg $0x9  }
0xbf: {  	_ =	task.clear_ibuf [dreg:s22], $0x4FFFF;
	_ =	strace $0x9000004C  }
0xc0: {  	s29 =	simm.s32 $0x9;
	_ =	strace $0x8000004E  }
0xc1: {  	_ =	swait.ge [sflag:s29], $0x1  }
0xc2: {  	[sflag:s29] =	ssyncadd.s32 $0xFFFFFFFF  }
0xc3: {  	_ =	strace $0x9000004E  }
0xc4: {  	_ =	sfence  }
0xc5: {  	s30 =	sld [smem:$0x0];
	_ =	sdelay $0x2  }
0xc6: {  	s31 =	sshll.u32 s1, $0xD;
	s1 =	sshrl.u32 s1, $0x2  }
0xc7: {  	s4 =	sand.u32 $0x4000, s31;
	s1 =	sadd.s32 s1, s30  }
0xc8: {  	s0 =	sor.u32 s4, s0;
	s1 =	sshll.u32 s1, $0x11  }
0xc9: {  	s0 =	sor.u32 s1, s0  }
0xca: {  	s0 =	sadd.s32 $0x8F2B, s0  }
0xcb: {  	[sflag:s0] =	ssyncadd.remote.s32 $0x1  }
0xcc: {  	_ =	sfence.sel $0xFFFF  }
0xcd: {  	[dreg:$0x0] =	wrdreg $0xFFFFFFFF;
	(pc) =	sbr.abs _section_cstart, $3  }
0xce: {  	[dreg:$0x1] =	wrdreg $0xFFFFFFFF  }
0xcf: {  	_ =	task.clear_ibuf [dreg:s22], $0x2FFFF;
	_ =	strace $0x9FFFFFFF  }
0xd0: {  	(tm) =	ssettm $0x7FFFFFFF  }
0xd1: {  	_ =	shalt  }
tec
execute0_lowered:
.L_overlay_start_1:
0x0: {  	(tag) =	ssettag $0x1  }
0x1: {  	s1 =	srdreg.scid;
	s0 =	stileid.u32  }
0x2: {  	s4 =	rddreg [dreg:$0x0];
	s9 =	simm.s32 $0x6400;
	s10 =	simm.s32 $0x60  }
0x3: {  	s11 =	simm.s32 $0x7E00;
	s12 =	simm.s32 $0x9800;
	s13 =	simm.s32 $0x1  }
0x4: {  	s14 =	simm.s32 $0xB200;
	s15 =	simm.s32 $0x2;
	s16 =	simm.s32 $0x3  }
0x5: {  	s17 =	simm.s32 $0x4;
	s18 =	simm.s32 $0xCC00;
	s19 =	simm.s32 $0x0  }
0x6: {  	s3 =	sand.u32 $0x1, s1;
	s31 =	sshll.u32 s0, $0x8;
	s1 =	rddreg [dreg:$0x1]  }
0x7: {  	s2 =	sshll.u32 s3, $0x7;
	s7 =	ssub.s32 $0x2, s3;
	s3 =	sadd.s32 $0x96B600, s4  }
0x8: {  	s5 =	sor.u32 s2, s31;
	s2 =	simm.s32 $0x0;
	s8 =	sshrl.u32 s7, $0x1  }
0x9: {  	s6 =	smul.u32 $0x19, s5;
	[smem:$0x7FF] =	sst s2;
	s5 =	sshll.u32 s5, $0x3  }
0xa: {  	s7 =	ssub.s32 s7, s8;
	s8 =	simm.s32 $0x68;
	s5 =	sadd.s32 s5, s4  }
0xb: {  	_ =	strace $0x8000004D;
	s6 =	sadd.s32 s6, s4;
	s5 =	sadd.s32 $0x7FDC00, s5  }
0xc: {  	s4 =	sadd.s32 $0x7E4C00, s6;
	s6 =	smax.u32 s7, $0x1;
	s7 =	simm.s32 $0x5  }
.LBB2_1:
0xd: {  	[tilespmem:s2], [sflag:$0x5] =	stream.linear.gather [hbm4b:s4+s2], $0x6400, $0x38;
	[tilespmem:$0xEC00] =	vst v63  }
0xe: {  	_ =	swait.ge [sflag:s7], $0x6400  }
0xf: {  	[sflag:s7] =	ssyncset.done $0x0  }
0x10: {  	[sflag:s7] =	ssyncadd.s32 $0xFFFF9C00  }
0x11: {  	[tilespmem:s9], [sflag:$0x1] =	stream.indirect.gather [hbm4b:s3+s8], $0x40, s2, s8, $0xb8;
	[tilespmem:$0xEC00] =	vst v63  }
0x12: {  	s20 =	simm.s32 $0x0  }
0x13: {  	[tilespmem:s11], [sflag:$0x2] =	stream.indirect.gather [hbm4b:s3+s10], $0x40, s8, s10, $0xb8;
	[tilespmem:$0xEC00] =	vst v63  }
.LBB2_2:
0x14: {  	s21 =	sshllo.u32 s20, $0x1  }
0x15: {  	s22 =	smul.u32 $0x320, s21;
	_ =	sdelay $0x1  }
0x16: {  	s22 =	sshra.s32 s22, $0x2  }
0x17: {  	[tilespmem:s12], [sflag:$0x3] =	stream.indirect.gather [hbm4b:s3+s8], $0x40, s22, s8, $0xb8;
	[tilespmem:$0xEC00] =	vst v63  }
0x18: {  	_ =	swait.ge [sflag:s13], $0x1A00  }
0x19: {  	[sflag:s13] =	ssyncset.done $0x0  }
0x1a: {  	s24 =	simm.s32 $0x0;
	[sflag:s13] =	ssyncadd.s32 $0xFFFFE600  }
0x1b: {  	v1 =	vld [tilespmem:s24+$0x6430]  }
0x1c: {  	v2 =	vld [tilespmem:s24+$0x6400]  }
0x1d: {  	v0 =	vimm.f32 $0.0e+00;
	v3 =	vld [tilespmem:s24+$0x6410]  }
0x1e: {  	s23 =	simm.s32 $0x100;
	v7 =	vimm.f32 $0.0e+00;
	v5 =	vimm.f32 $0.0e+00;
	v6 =	vimm.f32 $0.0e+00;
	v4 =	vld [tilespmem:s24+$0x6420]  }
.LBB2_3:
0x1f: {  	p0 =	sne.s32 s23, $0x6700  }
.Ltmp0:
0x20: {  	s24 =	sshra.s32 s23, $0x2;
	s23 =	sadd.s32 $0x100, s23;
	v0 =	vadd.f32 v1, v0;
	(pc) =	sbr.rel @p0 .LBB2_3-.Ltmp0, $4  }
0x21: {  	v1 =	vld [tilespmem:s24+$0x6430];
	v7 =	vadd.f32 v2, v7  }
0x22: {  	v2 =	vld [tilespmem:s24+$0x6400];
	v5 =	vadd.f32 v3, v5  }
0x23: {  	v3 =	vld [tilespmem:s24+$0x6410];
	v6 =	vadd.f32 v4, v6  }
0x24: {  	v4 =	vld [tilespmem:s24+$0x6420]  }
0x25: {  	s22 =	sadd.s32 $0x68, s22  }
0x26: {  	[tilespmem:s14], [sflag:$0x4] =	stream.indirect.gather [hbm4b:s3+s10], $0x40, s22, s10, $0xb8;
	[tilespmem:$0xEC00] =	vst v63  }
0x27: {  	_ =	swait.ge [sflag:s15], $0x1800  }
0x28: {  	[sflag:s15] =	ssyncset.done $0x0  }
0x29: {  	s23 =	simm.s32 $0x0;
	[sflag:s15] =	ssyncadd.s32 $0xFFFFE800  }
0x2a: {  	v8 =	vld [tilespmem:s23+$0x7E30]  }
0x2b: {  	v9 =	vld [tilespmem:s23+$0x7E00]  }
0x2c: {  	v0 =	vadd.f32 v1, v0;
	v1 =	vadd.f32 v2, v7;
	v7 =	vld [tilespmem:s23+$0x7E10]  }
0x2d: {  	s22 =	simm.s32 $0x100;
	v2 =	vadd.f32 v3, v5;
	v3 =	vadd.f32 v4, v6;
	v4 =	vld [tilespmem:s23+$0x7E20]  }
.LBB2_5:
0x2e: {  	p0 =	sne.s32 s22, $0x5F00  }
.Ltmp1:
0x2f: {  	s23 =	sshra.s32 s22, $0x2;
	s22 =	sadd.s32 $0x100, s22;
	v0 =	vadd.f32 v8, v0;
	(pc) =	sbr.rel @p0 .LBB2_5-.Ltmp1, $4  }
0x30: {  	v8 =	vld [tilespmem:s23+$0x7E30];
	v1 =	vadd.f32 v9, v1  }
0x31: {  	v9 =	vld [tilespmem:s23+$0x7E00];
	v2 =	vadd.f32 v7, v2  }
0x32: {  	v7 =	vld [tilespmem:s23+$0x7E10];
	v3 =	vadd.f32 v4, v3  }
0x33: {  	v4 =	vld [tilespmem:s23+$0x7E20]  }
0x34: {  	_ = 	snop  }
0x35: {  	v0 =	vadd.f32 v8, v0  }
0x36: {  	v1 =	vadd.f32 v9, v1  }
0x37: {  	s22 =	sshll.u32 s20, $0x7;
	v2 =	vadd.f32 v7, v2;
	v0 =	vmul.f32 $4.999999890e-03, v0  }
0x38: {  	p0 =	seq.s32 s20, $0x3F;
	s23 =	sand.u32 $0x3FFFFF80, s22;
	v3 =	vadd.f32 v4, v3;
	v1 =	vmul.f32 $4.999999890e-03, v1  }
0x39: {  	s22 =	smul.u32 @!p0 $0x640, s20;
	v2 =	vmul.f32 $4.999999890e-03, v2;
	[tilespmem:s23+$0xCC30] =	vst v0  }
0x3a: {  	[tilespmem:s23+$0xCC00] =	vst v1;
	v1 =	vmul.f32 $4.999999890e-03, v3  }
0x3b: {  	s22 =	sshra.s32 @!p0 s22, $0x2;
	[tilespmem:s23+$0xCC10] =	vst v2  }
0x3c: {  	s24 =	simm.s32 @!p0 $0x68;
	s25 =	simm.s32 @!p0 $0x6400;
	[tilespmem:s23+$0xCC20] =	vst v1;
	s23 =	sadd.s32 @!p0 $0x190, s22  }
0x3d: {  	[tilespmem:s25], [sflag:$0x1] =	stream.indirect.gather @!p0 [hbm4b:s3+s24], $0x40, s23, s24, $0xb8;
	[tilespmem:$0xEC00] =	vst v63  }
0x3e: {  	_ =	swait.ge [sflag:s16], $0x1A00  }
0x3f: {  	[sflag:s16] =	ssyncset.done $0x0  }
0x40: {  	s31 =	simm.s32 $0x0;
	[sflag:s16] =	ssyncadd.s32 $0xFFFFE600  }
0x41: {  	v1 =	vld [tilespmem:s31+$0x9830]  }
0x42: {  	v2 =	vld [tilespmem:s31+$0x9800]  }
0x43: {  	v5 =	vimm.f32 $0.0e+00;
	v3 =	vld [tilespmem:s31+$0x9810]  }
0x44: {  	v6 =	vimm.f32 $0.0e+00;
	v7 =	vimm.f32 $0.0e+00;
	v0 =	vimm.f32 $0.0e+00;
	s23 =	simm.s32 $0x100;
	v4 =	vld [tilespmem:s31+$0x9820]  }
.LBB2_7:
0x45: {  	p1 =	sne.s32 s23, $0x6700  }
.Ltmp2:
0x46: {  	s24 =	sshra.s32 s23, $0x2;
	s23 =	sadd.s32 $0x100, s23;
	v0 =	vadd.f32 v1, v0;
	(pc) =	sbr.rel @p1 .LBB2_7-.Ltmp2, $4  }
0x47: {  	v1 =	vld [tilespmem:s24+$0x9830];
	v7 =	vadd.f32 v2, v7  }
0x48: {  	v2 =	vld [tilespmem:s24+$0x9800];
	v5 =	vadd.f32 v3, v5  }
0x49: {  	v3 =	vld [tilespmem:s24+$0x9810];
	v6 =	vadd.f32 v4, v6  }
0x4a: {  	v4 =	vld [tilespmem:s24+$0x9820]  }
0x4b: {  	s22 =	sadd.s32 @!p0 $0x1F8, s22;
	s23 =	simm.s32 @!p0 $0x60;
	s24 =	simm.s32 @!p0 $0x7E00  }
0x4c: {  	[tilespmem:s24], [sflag:$0x2] =	stream.indirect.gather @!p0 [hbm4b:s3+s23], $0x40, s22, s23, $0xb8;
	[tilespmem:$0xEC00] =	vst v63  }
0x4d: {  	_ =	swait.ge [sflag:s17], $0x1800  }
0x4e: {  	[sflag:s17] =	ssyncset.done $0x0  }
0x4f: {  	s31 =	simm.s32 $0x0;
	[sflag:s17] =	ssyncadd.s32 $0xFFFFE800  }
0x50: {  	v8 =	vld [tilespmem:s31+$0xB230]  }
0x51: {  	v9 =	vld [tilespmem:s31+$0xB200]  }
0x52: {  	v0 =	vadd.f32 v1, v0;
	v1 =	vadd.f32 v2, v7;
	v7 =	vld [tilespmem:s31+$0xB210]  }
0x53: {  	s22 =	simm.s32 $0x100;
	v2 =	vadd.f32 v3, v5;
	v3 =	vadd.f32 v4, v6;
	v4 =	vld [tilespmem:s31+$0xB220]  }
.LBB2_9:
0x54: {  	p0 =	sne.s32 s22, $0x5F00  }
.Ltmp3:
0x55: {  	s23 =	sshra.s32 s22, $0x2;
	s22 =	sadd.s32 $0x100, s22;
	v0 =	vadd.f32 v8, v0;
	(pc) =	sbr.rel @p0 .LBB2_9-.Ltmp3, $4  }
0x56: {  	v8 =	vld [tilespmem:s23+$0xB230];
	v1 =	vadd.f32 v9, v1  }
0x57: {  	v9 =	vld [tilespmem:s23+$0xB200];
	v2 =	vadd.f32 v7, v2  }
0x58: {  	v7 =	vld [tilespmem:s23+$0xB210];
	v3 =	vadd.f32 v4, v3  }
0x59: {  	v4 =	vld [tilespmem:s23+$0xB220]  }
0x5a: {  	_ = 	snop  }
0x5b: {  	v0 =	vadd.f32 v8, v0  }
0x5c: {  	s20 =	sadd.s32 $0x1, s20;
	v1 =	vadd.f32 v9, v1  }
0x5d: {  	s21 =	sshll.u32 s21, $0x6;
	p0 =	sne.s32 s20, $0x40;
	v2 =	vadd.f32 v7, v2;
	v0 =	vmul.f32 $4.999999890e-03, v0  }
.Ltmp4:
0x5e: {  	s21 =	sand.u32 $0x3FFFFFC0, s21;
	v3 =	vadd.f32 v4, v3;
	v1 =	vmul.f32 $4.999999890e-03, v1;
	(pc) =	sbr.rel @p0 .LBB2_2-.Ltmp4, $4  }
0x5f: {  	v2 =	vmul.f32 $4.999999890e-03, v2;
	[tilespmem:s21+$0xCC30] =	vst v0  }
0x60: {  	[tilespmem:s21+$0xCC00] =	vst v1;
	v63 =	vmul.f32 $4.999999890e-03, v3  }
0x61: {  	[tilespmem:s21+$0xCC10] =	vst v2  }
0x62: {  	[tilespmem:s21+$0xCC20] =	vst v63  }
0x63: {  	s19 =	sadd.s32 $0x1, s19  }
0x64: {  	p0 =	sne.s32 s19, s6  }
.Ltmp5:
0x65: {  	_ = 	snop;
	(pc) =	sbr.rel @p0 .LBB2_1-.Ltmp5, $4  }
0x66: {  	[hbm4b:s5+s2] =	stream.linear.scatter [tilespmem:s18], [sflag:$0x5], $0x2000, $0x38;
	[tilespmem:$0xEC00] =	vst v63  }
0x67: {  	_ =	swait.ge [sflag:s7], $0x2000  }
0x68: {  	[sflag:s7] =	ssyncset.done $0x0  }
0x69: {  	[sflag:s7] =	ssyncadd.s32 $0xFFFFE000  }
0x6a: {  	_ =	sfence.sel $0x180000  }
0x6b: {  	[bflag:$0x0] =	sbarrier.arrive $0xFFFF  }
0x6c: {  	p0 =	sne.s32 s0, $0x0;
	_ =	strace $0x9000004D  }
0x6d: {  	s0 =	sadd.s32 @!p0 $0x100000, s1;
	[bflag:$0x2] =	sbarrier.arrive $0xFFFF  }
0x6e: {  	[sflag:s0] =	ssyncadd.tile.s32 @!p0 $0x1;
	_ =	shalt  }
.Lfunc_end2:
_tile_overlayer_lowered:
.L_overlay_start_2:
0x6f: {  	(tag) =	ssettag $0x2  }
0x70: {  	s0 =	rddreg [dreg:$0x0];
	s2 =	stileid.u32  }
0x71: {  	s1 =	rddreg [dreg:$0x1];
	p0 =	sne.s32 s2, $0x0  }
0x72: {  	s3 =	rddreg [dreg:$0x2];
	[bflag:$0x3] =	sbarrier.arrive $0xFFFF;
	s2 =	simm.s32 @!p0 $0x1C05  }
0x73: {  	[timem:s3], [sflag:s2] =	dma.local @!p0 [hbm:s0], s1  }
0x74: {  	s0 =	simm.s32 @!p0 $0x5  }
0x75: {  	_ =	swait.ge @!p0 [sflag:s0], s1  }
0x76: {  	s1 =	ssub.s32 @!p0 $0x0, s1;
	[sflag:s0] =	ssyncset.done @!p0 $0x0  }
0x77: {  	[sflag:s0] =	ssyncadd.s32 @!p0 s1  }
0x78: {  	[bflag:$0x3] =	sbarrier.arrive $0xFFFF  }
0x79: {  	_ =	shalt  }

// kernel: kernel.9.cloned.1.call-start
scs
__scs_entry_jumppad:
0x0: {  	(pc) =	sbr.rel $0x88, $3  }
0x1: {  	(tag) =	ssettag $0x0;
	lr =	simm.s32 $0x1  }
0x2: {  	[smem:$0x3F97] =	sst lr;
	_ =	strace $0xD0000000  }
0x3: {  	_ = 	snop  }
0x4: {  	_ = 	snop  }
0x5: {  	_ = 	snop  }
0x6: {  	_ = 	snop  }
0x7: {  	_ = 	snop  }
__scs_overlays_trampoline_lowered:
0x8: {  	[smem:$0x3FA6] =	sst s0  }
0x9: {  	[smem:$0x3FA7] =	sst s1  }
0xa: {  	[smem:$0x3FA8] =	sst s2  }
0xb: {  	[smem:$0x3FA9] =	sst s3  }
0xc: {  	[smem:$0x3FAA] =	sst s4  }
0xd: {  	[smem:$0x3FAB] =	sst s5  }
0xe: {  	[smem:$0x3FAC] =	sst s6  }
0xf: {  	[smem:$0x3FAD] =	sst s7  }
0x10: {  	[smem:$0x3FAE] =	sst s8  }
0x11: {  	[smem:$0x3FAF] =	sst s9;
	s0 =	simm.s32 @!p0 $0x0  }
0x12: {  	s1 =	sld [smem:$0x3F95];
	s0 =	simm.s32 @p0 $0x1  }
0x13: {  	[smem:$0x3FB0] =	sst s0;
	s0 =	simm.s32 @!p1 $0x0  }
0x14: {  	s2 =	sld [smem:$0x3F94];
	s0 =	simm.s32 @p1 $0x1  }
0x15: {  	[smem:$0x3FB1] =	sst s0;
	s0 =	simm.s32 @!p2 $0x0  }
0x16: {  	s3 =	sld [smem:$0x3FDB];
	s0 =	simm.s32 @p2 $0x1  }
0x17: {  	s4 =	simm.s32 $0x1BF5;
	[smem:$0x3FB3] =	sst s0  }
0x18: {  	s0 =	sld [smem:$0x3F96];
	_ =	swait.ge [sflag:s4], $0x0  }
0x19: {  	s7 =	sld [smem:$0x3F97]  }
0x1a: {  	s8 =	sadd.s32 $0xFFFFE003, lr  }
0x1b: {  	s9 =	sadd.s32 $0xFFFFFEF7, lr;
	s5 =	simm.s32 $0xFFFFFFFF;
	p2 =	slt.u32 s8, $0xFFFFF086  }
0x1c: {  	p1 =	slt.u32 s9, $0xF7A;
	s5 =	simm.s32 @!p2 $0x0  }
0x1d: {  	s5 =	simm.s32 @p1 $0x1;
	p0 =	seq.s32 s7, s2  }
0x1e: {  	s7 =	smul.u32 @!p0 $0xF7A, s2;
	p2 =	seq.s32 @!p0 s5, $0x0  }
0x1f: {  	s9 =	smul.u32 $0xF7A, s1;
	s8 =	simm.s32 @!p0 $0x1BF5;
	p2 =	por !p2, p0  }
0x20: {  	[sflag:s8] =	ssyncset.s32 @!p0 $0xFFFFF086;
	s6 =	sadd.s32 @!p0 s3, s7;
	s7 =	simm.s32 @!p0 $0x108  }
0x21: {  	s3 =	sadd.s32 s3, s9;
	s6 =	sadd.s32 @!p0 $0x88, s6;
	s7 =	simm.s32 @p2 $0x1082  }
0x22: {  	[simem:s7], [sflag:s8] =	dma.local @!p0 [hbm:s6], $0xF7A  }
0x23: {  	s9 =	sor.u32 $0xD0000000, s2;
	s6 =	simm.s32 $0x108;
	_ =	swait.ge @!p0 [sflag:s8], $0x0  }
0x24: {  	s3 =	sadd.s32 $0x88, s3;
	s6 =	simm.s32 @!p1 $0x1082;
	[sflag:s4] =	ssyncset.s32 $0xFFFFF086  }
0x25: {  	[simem:s6], [sflag:s4] =	dma.local [hbm:s3], $0xF7A  }
0x26: {  	[smem:$0x3F97] =	sst s1;
	(tag) =	ssettag s2;
	_ =	strace s9  }
0x27: {  	s1 =	sld [smem:$0x3FA7]  }
0x28: {  	s2 =	sld [smem:$0x3FA8]  }
0x29: {  	s4 =	sld [smem:$0x3FAA]  }
0x2a: {  	p0 =	seq.s32 s5, $0x0;
	s5 =	sld [smem:$0x3FAB]  }
0x2b: {  	s6 =	sld [smem:$0x3FAC]  }
0x2c: {  	s7 =	sld [smem:$0x3FAD]  }
0x2d: {  	s3 =	simm.s32 $0x108;
	s8 =	sld [smem:$0x3FAE]  }
0x2e: {  	s3 =	simm.s32 @!p0 $0x1082;
	s9 =	sld [smem:$0x3FAF]  }
0x2f: {  	lr =	sadd.s32 s0, s3;
	s0 =	sld [smem:$0x3FA6]  }
0x30: {  	s3 =	sld [smem:$0x3FA9]  }
0x31: {  	[smem:$0x3FB2] =	sst s10  }
0x32: {  	s10 =	sld [smem:$0x3FB0];
	_ =	sdelay $0x3  }
0x33: {  	p0 =	seq.s32 s10, $0x1;
	s10 =	sld [smem:$0x3FB2];
	_ =	sdelay $0x3  }
0x34: {  	[smem:$0x3FB2] =	sst s10  }
0x35: {  	s10 =	sld [smem:$0x3FB1];
	_ =	sdelay $0x3  }
0x36: {  	p1 =	seq.s32 s10, $0x1;
	s10 =	sld [smem:$0x3FB2];
	_ =	sdelay $0x3  }
0x37: {  	[smem:$0x3FB2] =	sst s10  }
0x38: {  	s10 =	sld [smem:$0x3FB3]  }
0x39: {  	_ = 	snop;
	(pc) =	sbr.ind lr, $3  }
0x3a: {  	_ = 	snop  }
0x3b: {  	_ = 	snop  }
0x3c: {  	p2 =	seq.s32 s10, $0x1;
	s10 =	sld [smem:$0x3FB2]  }
0x3d: {  	_ =	shalt  }
0x3e: {  	_ =	shalt  }
0x3f: {  	_ =	shalt  }
0x40: {  	_ =	shalt  }
0x41: {  	_ =	shalt  }
0x42: {  	_ =	shalt  }
0x43: {  	_ =	shalt  }
0x44: {  	_ =	shalt  }
0x45: {  	_ =	shalt  }
0x46: {  	_ =	shalt  }
0x47: {  	_ =	shalt  }
0x48: {  	_ =	shalt  }
0x49: {  	_ =	shalt  }
0x4a: {  	_ =	shalt  }
0x4b: {  	_ =	shalt  }
0x4c: {  	_ =	shalt  }
0x4d: {  	_ =	shalt  }
0x4e: {  	_ =	shalt  }
0x4f: {  	_ =	shalt  }
0x50: {  	_ =	shalt  }
0x51: {  	_ =	shalt  }
0x52: {  	_ =	shalt  }
0x53: {  	_ =	shalt  }
0x54: {  	_ =	shalt  }
0x55: {  	_ =	shalt  }
0x56: {  	_ =	shalt  }
0x57: {  	_ =	shalt  }
0x58: {  	_ =	shalt  }
0x59: {  	_ =	shalt  }
0x5a: {  	_ =	shalt  }
0x5b: {  	_ =	shalt  }
0x5c: {  	_ =	shalt  }
0x5d: {  	_ =	shalt  }
0x5e: {  	_ =	shalt  }
0x5f: {  	_ =	shalt  }
0x60: {  	_ =	shalt  }
0x61: {  	_ =	shalt  }
0x62: {  	_ =	shalt  }
0x63: {  	_ =	shalt  }
0x64: {  	_ =	shalt  }
0x65: {  	_ =	shalt  }
0x66: {  	_ =	shalt  }
0x67: {  	_ =	shalt  }
0x68: {  	_ =	shalt  }
0x69: {  	_ =	shalt  }
0x6a: {  	_ =	shalt  }
0x6b: {  	_ =	shalt  }
0x6c: {  	_ =	shalt  }
0x6d: {  	_ =	shalt  }
0x6e: {  	_ =	shalt  }
0x6f: {  	_ =	shalt  }
0x70: {  	_ =	shalt  }
0x71: {  	_ =	shalt  }
0x72: {  	_ =	shalt  }
0x73: {  	_ =	shalt  }
0x74: {  	_ =	shalt  }
0x75: {  	_ =	shalt  }
0x76: {  	_ =	shalt  }
0x77: {  	_ =	shalt  }
0x78: {  	_ =	shalt  }
0x79: {  	_ =	shalt  }
0x7a: {  	_ =	shalt  }
0x7b: {  	_ =	shalt  }
0x7c: {  	_ =	shalt  }
0x7d: {  	_ =	shalt  }
0x7e: {  	_ =	shalt  }
0x7f: {  	_ =	shalt  }
0x80: {  	_ =	shalt  }
0x81: {  	_ =	shalt  }
0x82: {  	_ =	shalt  }
0x83: {  	_ =	shalt  }
0x84: {  	_ =	shalt  }
0x85: {  	_ =	shalt  }
0x86: {  	_ =	shalt  }
0x87: {  	_ =	shalt  }
.Lfunc_end0:
.L_simem_size_0:
called_computation.1_lowered:
.L_overlay_start_0:
0x88: {  	s2 =	sld [smem:$0x3FD9]  }
0x89: {  	s3 =	sld [smem:$0x3FFE];
	_ =	sdelay $0x1  }
0x8a: {  	s1 =	srdreg.scid  }
0x8b: {  	s0 =	sand.u32 $0x1, s1  }
0x8c: {  	s17 =	sshll.u32 s0, $0xA;
	s2 =	sadd.s32 s3, s2  }
0x8d: {  	s2 =	sadd.s32 s2, s17  }
0x8e: {  	[smem:$0x3FBE] =	sst s2  }
0x8f: {  	_ = 	snop  }
0x90: {  	(tm) =	ssettm $0x1  }
0x91: {  	s18 =	sld [smem:$0x3FFB];
	_ =	sdelay $0x3  }
0x92: {  	_ =	strace s18  }
0x93: {  	s2 =	sld [smem:$0x3FFC];
	_ =	sdelay $0x3  }
0x94: {  	_ =	strace s2  }
0x95: {  	s2 =	sld [smem:$0x3FFD];
	_ =	sdelay $0x3  }
0x96: {  	_ =	strace s2  }
0x97: {  	_ =	strace $0x8FFFFFFF  }
0x98: {  	s19 =	sld [smem:$0x3FDB];
	_ =	sdelay $0x1  }
0x99: {  	s20 =	simm.s32 $_scs_section_size  }
0x9a: {  	s4 =	simm.s32 $_size__tile_overlayer_lowered;
	s5 =	simm.s32 $_tile_overlayer_lowered  }
0x9b: {  	s6 =	simm.s32 $0x1BFF;
	s21 =	sshll.u32 s5, $0x1;
	s3 =	sadd.s32 s20, s19  }
0x9c: {  	s22 =	simm.s32 $0x0;
	s4 =	sshll.u32 s4, $0x1;
	s5 =	sadd.s32 s21, s3  }
0x9d: {  	[timem:s22], [sflag:s6] =	dma.local [hbm:s5], s4  }
0x9e: {  	_ =	swait.ge [sflag:s6], s4  }
0x9f: {  	s4 =	ssub.s32 $0x0, s4;
	[sflag:s6] =	ssyncset.done $0x0  }
0xa0: {  	[sflag:s6] =	ssyncadd.s32 s4;
	_ =	sdelay $0x1  }
0xa1: {  	s23 =	simm.s32 $0x1B8B  }
0xa2: {  	_ =	swait.ge [sflag:s23], $0x1  }
0xa3: {  	[sflag:s23] =	ssyncset.done $0x0  }
0xa4: {  	[sflag:s23] =	ssyncadd.s32 $0xFFFFFFFF  }
0xa5: {  	s4 =	sld [smem:$0x0]  }
0xa6: {  	s5 =	sand.u32 $0xFFFFFFFE, s1  }
0xa7: {  	p0 =	sne.s32 s1, s5  }
0xa8: {  	s5 =	sshll.u32 @p0 s5, $0xE  }
0xa9: {  	s5 =	sadd.s32 @p0 $0x11B8D, s5;
	s6 =	sshll.u32 @p0 s4, $0x11  }
0xaa: {  	s5 =	sor.u32 @p0 s6, s5  }
0xab: {  	[sflag:s5] =	ssyncadd.remote.s32 @p0 $0x1;
	_ =	sdelay $0x1  }
0xac: {  	s5 =	simm.s32 @p0 $0x1B8D  }
0xad: {  	_ =	swait.eq @p0 [sflag:s5], $0x1  }
0xae: {  	[sflag:s5] =	ssyncadd.s32 @p0 $0xFFFFFFFF  }
0xaf: {  	s6 =	sshll.u32 @!p0 s1, $0xE  }
0xb0: {  	s6 =	sor.u32 @!p0 $0x4000, s6;
	s5 =	simm.s32 @!p0 $0x1B8D  }
0xb1: {  	s4 =	sshll.u32 @!p0 s4, $0x11;
	s6 =	sadd.s32 @!p0 $0x11B8D, s6;
	_ =	swait.eq @!p0 [sflag:s5], $0x1  }
0xb2: {  	s4 =	sor.u32 @!p0 s4, s6;
	[sflag:s5] =	ssyncadd.s32 @!p0 $0xFFFFFFFF  }
0xb3: {  	s25 =	simm.s32 $0x1B8E;
	s24 =	sld [smem:$0x3FFE];
	[sflag:s4] =	ssyncadd.remote.s32 @!p0 $0x1  }
0xb4: {  	s26 =	simm.s32 $execute0_lowered;
	[smem:$0x3FD2] =	sst s25  }
0xb5: {  	s5 =	sshll.u32 s26, $0x1;
	_ =	strace $0x80000049;
	[dreg:$0x1] =	wrdreg $0xFFFFFFFF  }
0xb6: {  	s28 =	simm.s32 $_size_execute0_lowered;
	s3 =	sadd.s32 s3, s5;
	[dreg:$0x0] =	wrdreg $0x0  }
0xb7: {  	s5 =	sshll.u32 s28, $0x1;
	[dreg:$0x2] =	wrdreg s3  }
0xb8: {  	[dreg:$0x3] =	wrdreg s5  }
0xb9: {  	[dreg:$0x4] =	wrdreg $0xC0  }
0xba: {  	_ =	task [dreg:s22], $0x5FFFF  }
0xbb: {  	[dreg:$0x1] =	wrdreg $0xFFFFFFFF  }
0xbc: {  	[dreg:$0x0] =	wrdreg $0x60  }
0xbd: {  	[dreg:$0x2] =	wrdreg s24  }
0xbe: {  	[dreg:$0x3] =	wrdreg $0xA  }
0xbf: {  	_ =	task.clear_ibuf [dreg:s22], $0x4FFFF;
	_ =	strace $0x90000049  }
0xc0: {  	s29 =	simm.s32 $0xA;
	_ =	strace $0x8000004B  }
0xc1: {  	_ =	swait.ge [sflag:s29], $0x1  }
0xc2: {  	[sflag:s29] =	ssyncadd.s32 $0xFFFFFFFF  }
0xc3: {  	_ =	strace $0x9000004B  }
0xc4: {  	_ =	sfence  }
0xc5: {  	s30 =	sld [smem:$0x0];
	_ =	sdelay $0x2  }
0xc6: {  	s31 =	sshll.u32 s1, $0xD;
	s1 =	sshrl.u32 s1, $0x2  }
0xc7: {  	s4 =	sand.u32 $0x4000, s31;
	s1 =	sadd.s32 s1, s30  }
0xc8: {  	s0 =	sor.u32 s4, s0;
	s1 =	sshll.u32 s1, $0x11  }
0xc9: {  	s0 =	sor.u32 s1, s0  }
0xca: {  	s0 =	sadd.s32 $0x8F2B, s0  }
0xcb: {  	[sflag:s0] =	ssyncadd.remote.s32 $0x1  }
0xcc: {  	_ =	sfence.sel $0xFFFF  }
0xcd: {  	[dreg:$0x0] =	wrdreg $0xFFFFFFFF;
	(pc) =	sbr.abs _section_cstart, $3  }
0xce: {  	[dreg:$0x1] =	wrdreg $0xFFFFFFFF  }
0xcf: {  	_ =	task.clear_ibuf [dreg:s22], $0x2FFFF;
	_ =	strace $0x9FFFFFFF  }
0xd0: {  	(tm) =	ssettm $0x7FFFFFFF  }
0xd1: {  	_ =	shalt  }
tec
execute0_lowered:
.L_overlay_start_1:
0x0: {  	(tag) =	ssettag $0x1  }
0x1: {  	s1 =	srdreg.scid;
	s0 =	stileid.u32  }
0x2: {  	s4 =	rddreg [dreg:$0x0];
	s9 =	simm.s32 $0x6400;
	s10 =	simm.s32 $0x60  }
0x3: {  	s11 =	simm.s32 $0x7E00;
	s12 =	simm.s32 $0x9800;
	s13 =	simm.s32 $0x1  }
0x4: {  	s14 =	simm.s32 $0xB200;
	s15 =	simm.s32 $0x2;
	s16 =	simm.s32 $0x3  }
0x5: {  	s17 =	simm.s32 $0x4;
	s18 =	simm.s32 $0xCC00;
	s19 =	simm.s32 $0x0  }
0x6: {  	s3 =	sand.u32 $0x1, s1;
	s31 =	sshll.u32 s0, $0x8;
	s1 =	rddreg [dreg:$0x1]  }
0x7: {  	s2 =	sshll.u32 s3, $0x7;
	s7 =	ssub.s32 $0x2, s3;
	s3 =	sadd.s32 $0x22A00, s4  }
0x8: {  	s5 =	sor.u32 s2, s31;
	s2 =	simm.s32 $0x0;
	s8 =	sshrl.u32 s7, $0x1  }
0x9: {  	s6 =	smul.u32 $0x19, s5;
	[smem:$0x7FF] =	sst s2;
	s5 =	sshll.u32 s5, $0x3  }
0xa: {  	s7 =	ssub.s32 s7, s8;
	s8 =	simm.s32 $0x68;
	s5 =	sadd.s32 s5, s4  }
0xb: {  	_ =	strace $0x8000004A;
	s6 =	sadd.s32 s6, s4;
	s5 =	sadd.s32 $0x7DCC00, s5  }
0xc: {  	s4 =	sadd.s32 $0x7C3C00, s6;
	s6 =	smax.u32 s7, $0x1;
	s7 =	simm.s32 $0x5  }
.LBB2_1:
0xd: {  	[tilespmem:s2], [sflag:$0x5] =	stream.linear.gather [hbm4b:s4+s2], $0x6400, $0x38;
	[tilespmem:$0xEC00] =	vst v63  }
0xe: {  	_ =	swait.ge [sflag:s7], $0x6400  }
0xf: {  	[sflag:s7] =	ssyncset.done $0x0  }
0x10: {  	[sflag:s7] =	ssyncadd.s32 $0xFFFF9C00  }
0x11: {  	[tilespmem:s9], [sflag:$0x1] =	stream.indirect.gather [hbm4b:s3+s8], $0x40, s2, s8, $0xb8;
	[tilespmem:$0xEC00] =	vst v63  }
0x12: {  	s20 =	simm.s32 $0x0  }
0x13: {  	[tilespmem:s11], [sflag:$0x2] =	stream.indirect.gather [hbm4b:s3+s10], $0x40, s8, s10, $0xb8;
	[tilespmem:$0xEC00] =	vst v63  }
.LBB2_2:
0x14: {  	s21 =	sshllo.u32 s20, $0x1  }
0x15: {  	s22 =	smul.u32 $0x320, s21;
	_ =	sdelay $0x1  }
0x16: {  	s22 =	sshra.s32 s22, $0x2  }
0x17: {  	[tilespmem:s12], [sflag:$0x3] =	stream.indirect.gather [hbm4b:s3+s8], $0x40, s22, s8, $0xb8;
	[tilespmem:$0xEC00] =	vst v63  }
0x18: {  	_ =	swait.ge [sflag:s13], $0x1A00  }
0x19: {  	[sflag:s13] =	ssyncset.done $0x0  }
0x1a: {  	s24 =	simm.s32 $0x0;
	[sflag:s13] =	ssyncadd.s32 $0xFFFFE600  }
0x1b: {  	v1 =	vld [tilespmem:s24+$0x6430]  }
0x1c: {  	v2 =	vld [tilespmem:s24+$0x6400]  }
0x1d: {  	v0 =	vimm.f32 $0.0e+00;
	v3 =	vld [tilespmem:s24+$0x6410]  }
0x1e: {  	s23 =	simm.s32 $0x100;
	v7 =	vimm.f32 $0.0e+00;
	v5 =	vimm.f32 $0.0e+00;
	v6 =	vimm.f32 $0.0e+00;
	v4 =	vld [tilespmem:s24+$0x6420]  }
.LBB2_3:
0x1f: {  	p0 =	sne.s32 s23, $0x6700  }
.Ltmp0:
0x20: {  	s24 =	sshra.s32 s23, $0x2;
	s23 =	sadd.s32 $0x100, s23;
	v0 =	vadd.f32 v1, v0;
	(pc) =	sbr.rel @p0 .LBB2_3-.Ltmp0, $4  }
0x21: {  	v1 =	vld [tilespmem:s24+$0x6430];
	v7 =	vadd.f32 v2, v7  }
0x22: {  	v2 =	vld [tilespmem:s24+$0x6400];
	v5 =	vadd.f32 v3, v5  }
0x23: {  	v3 =	vld [tilespmem:s24+$0x6410];
	v6 =	vadd.f32 v4, v6  }
0x24: {  	v4 =	vld [tilespmem:s24+$0x6420]  }
0x25: {  	s22 =	sadd.s32 $0x68, s22  }
0x26: {  	[tilespmem:s14], [sflag:$0x4] =	stream.indirect.gather [hbm4b:s3+s10], $0x40, s22, s10, $0xb8;
	[tilespmem:$0xEC00] =	vst v63  }
0x27: {  	_ =	swait.ge [sflag:s15], $0x1800  }
0x28: {  	[sflag:s15] =	ssyncset.done $0x0  }
0x29: {  	s23 =	simm.s32 $0x0;
	[sflag:s15] =	ssyncadd.s32 $0xFFFFE800  }
0x2a: {  	v8 =	vld [tilespmem:s23+$0x7E30]  }
0x2b: {  	v9 =	vld [tilespmem:s23+$0x7E00]  }
0x2c: {  	v0 =	vadd.f32 v1, v0;
	v1 =	vadd.f32 v2, v7;
	v7 =	vld [tilespmem:s23+$0x7E10]  }
0x2d: {  	s22 =	simm.s32 $0x100;
	v2 =	vadd.f32 v3, v5;
	v3 =	vadd.f32 v4, v6;
	v4 =	vld [tilespmem:s23+$0x7E20]  }
.LBB2_5:
0x2e: {  	p0 =	sne.s32 s22, $0x5F00  }
.Ltmp1:
0x2f: {  	s23 =	sshra.s32 s22, $0x2;
	s22 =	sadd.s32 $0x100, s22;
	v0 =	vadd.f32 v8, v0;
	(pc) =	sbr.rel @p0 .LBB2_5-.Ltmp1, $4  }
0x30: {  	v8 =	vld [tilespmem:s23+$0x7E30];
	v1 =	vadd.f32 v9, v1  }
0x31: {  	v9 =	vld [tilespmem:s23+$0x7E00];
	v2 =	vadd.f32 v7, v2  }
0x32: {  	v7 =	vld [tilespmem:s23+$0x7E10];
	v3 =	vadd.f32 v4, v3  }
0x33: {  	v4 =	vld [tilespmem:s23+$0x7E20]  }
0x34: {  	_ = 	snop  }
0x35: {  	v0 =	vadd.f32 v8, v0  }
0x36: {  	v1 =	vadd.f32 v9, v1  }
0x37: {  	s22 =	sshll.u32 s20, $0x7;
	v2 =	vadd.f32 v7, v2;
	v0 =	vmul.f32 $4.999999890e-03, v0  }
0x38: {  	p0 =	seq.s32 s20, $0x3F;
	s23 =	sand.u32 $0x3FFFFF80, s22;
	v3 =	vadd.f32 v4, v3;
	v1 =	vmul.f32 $4.999999890e-03, v1  }
0x39: {  	s22 =	smul.u32 @!p0 $0x640, s20;
	v2 =	vmul.f32 $4.999999890e-03, v2;
	[tilespmem:s23+$0xCC30] =	vst v0  }
0x3a: {  	[tilespmem:s23+$0xCC00] =	vst v1;
	v1 =	vmul.f32 $4.999999890e-03, v3  }
0x3b: {  	s22 =	sshra.s32 @!p0 s22, $0x2;
	[tilespmem:s23+$0xCC10] =	vst v2  }
0x3c: {  	s24 =	simm.s32 @!p0 $0x68;
	s25 =	simm.s32 @!p0 $0x6400;
	[tilespmem:s23+$0xCC20] =	vst v1;
	s23 =	sadd.s32 @!p0 $0x190, s22  }
0x3d: {  	[tilespmem:s25], [sflag:$0x1] =	stream.indirect.gather @!p0 [hbm4b:s3+s24], $0x40, s23, s24, $0xb8;
	[tilespmem:$0xEC00] =	vst v63  }
0x3e: {  	_ =	swait.ge [sflag:s16], $0x1A00  }
0x3f: {  	[sflag:s16] =	ssyncset.done $0x0  }
0x40: {  	s31 =	simm.s32 $0x0;
	[sflag:s16] =	ssyncadd.s32 $0xFFFFE600  }
0x41: {  	v1 =	vld [tilespmem:s31+$0x9830]  }
0x42: {  	v2 =	vld [tilespmem:s31+$0x9800]  }
0x43: {  	v5 =	vimm.f32 $0.0e+00;
	v3 =	vld [tilespmem:s31+$0x9810]  }
0x44: {  	v6 =	vimm.f32 $0.0e+00;
	v7 =	vimm.f32 $0.0e+00;
	v0 =	vimm.f32 $0.0e+00;
	s23 =	simm.s32 $0x100;
	v4 =	vld [tilespmem:s31+$0x9820]  }
.LBB2_7:
0x45: {  	p1 =	sne.s32 s23, $0x6700  }
.Ltmp2:
0x46: {  	s24 =	sshra.s32 s23, $0x2;
	s23 =	sadd.s32 $0x100, s23;
	v0 =	vadd.f32 v1, v0;
	(pc) =	sbr.rel @p1 .LBB2_7-.Ltmp2, $4  }
0x47: {  	v1 =	vld [tilespmem:s24+$0x9830];
	v7 =	vadd.f32 v2, v7  }
0x48: {  	v2 =	vld [tilespmem:s24+$0x9800];
	v5 =	vadd.f32 v3, v5  }
0x49: {  	v3 =	vld [tilespmem:s24+$0x9810];
	v6 =	vadd.f32 v4, v6  }
0x4a: {  	v4 =	vld [tilespmem:s24+$0x9820]  }
0x4b: {  	s22 =	sadd.s32 @!p0 $0x1F8, s22;
	s23 =	simm.s32 @!p0 $0x60;
	s24 =	simm.s32 @!p0 $0x7E00  }
0x4c: {  	[tilespmem:s24], [sflag:$0x2] =	stream.indirect.gather @!p0 [hbm4b:s3+s23], $0x40, s22, s23, $0xb8;
	[tilespmem:$0xEC00] =	vst v63  }
0x4d: {  	_ =	swait.ge [sflag:s17], $0x1800  }
0x4e: {  	[sflag:s17] =	ssyncset.done $0x0  }
0x4f: {  	s31 =	simm.s32 $0x0;
	[sflag:s17] =	ssyncadd.s32 $0xFFFFE800  }
0x50: {  	v8 =	vld [tilespmem:s31+$0xB230]  }
0x51: {  	v9 =	vld [tilespmem:s31+$0xB200]  }
0x52: {  	v0 =	vadd.f32 v1, v0;
	v1 =	vadd.f32 v2, v7;
	v7 =	vld [tilespmem:s31+$0xB210]  }
0x53: {  	s22 =	simm.s32 $0x100;
	v2 =	vadd.f32 v3, v5;
	v3 =	vadd.f32 v4, v6;
	v4 =	vld [tilespmem:s31+$0xB220]  }
.LBB2_9:
0x54: {  	p0 =	sne.s32 s22, $0x5F00  }
.Ltmp3:
0x55: {  	s23 =	sshra.s32 s22, $0x2;
	s22 =	sadd.s32 $0x100, s22;
	v0 =	vadd.f32 v8, v0;
	(pc) =	sbr.rel @p0 .LBB2_9-.Ltmp3, $4  }
0x56: {  	v8 =	vld [tilespmem:s23+$0xB230];
	v1 =	vadd.f32 v9, v1  }
0x57: {  	v9 =	vld [tilespmem:s23+$0xB200];
	v2 =	vadd.f32 v7, v2  }
0x58: {  	v7 =	vld [tilespmem:s23+$0xB210];
	v3 =	vadd.f32 v4, v3  }
0x59: {  	v4 =	vld [tilespmem:s23+$0xB220]  }
0x5a: {  	_ = 	snop  }
0x5b: {  	v0 =	vadd.f32 v8, v0  }
0x5c: {  	s20 =	sadd.s32 $0x1, s20;
	v1 =	vadd.f32 v9, v1  }
0x5d: {  	s21 =	sshll.u32 s21, $0x6;
	p0 =	sne.s32 s20, $0x40;
	v2 =	vadd.f32 v7, v2;
	v0 =	vmul.f32 $4.999999890e-03, v0  }
.Ltmp4:
0x5e: {  	s21 =	sand.u32 $0x3FFFFFC0, s21;
	v3 =	vadd.f32 v4, v3;
	v1 =	vmul.f32 $4.999999890e-03, v1;
	(pc) =	sbr.rel @p0 .LBB2_2-.Ltmp4, $4  }
0x5f: {  	v2 =	vmul.f32 $4.999999890e-03, v2;
	[tilespmem:s21+$0xCC30] =	vst v0  }
0x60: {  	[tilespmem:s21+$0xCC00] =	vst v1;
	v63 =	vmul.f32 $4.999999890e-03, v3  }
0x61: {  	[tilespmem:s21+$0xCC10] =	vst v2  }
0x62: {  	[tilespmem:s21+$0xCC20] =	vst v63  }
0x63: {  	s19 =	sadd.s32 $0x1, s19  }
0x64: {  	p0 =	sne.s32 s19, s6  }
.Ltmp5:
0x65: {  	_ = 	snop;
	(pc) =	sbr.rel @p0 .LBB2_1-.Ltmp5, $4  }
0x66: {  	[hbm4b:s5+s2] =	stream.linear.scatter [tilespmem:s18], [sflag:$0x5], $0x2000, $0x38;
	[tilespmem:$0xEC00] =	vst v63  }
0x67: {  	_ =	swait.ge [sflag:s7], $0x2000  }
0x68: {  	[sflag:s7] =	ssyncset.done $0x0  }
0x69: {  	[sflag:s7] =	ssyncadd.s32 $0xFFFFE000  }
0x6a: {  	_ =	sfence.sel $0x180000  }
0x6b: {  	[bflag:$0x0] =	sbarrier.arrive $0xFFFF  }
0x6c: {  	p0 =	sne.s32 s0, $0x0;
	_ =	strace $0x9000004A  }
0x6d: {  	s0 =	sadd.s32 @!p0 $0x100000, s1;
	[bflag:$0x2] =	sbarrier.arrive $0xFFFF  }
0x6e: {  	[sflag:s0] =	ssyncadd.tile.s32 @!p0 $0x1;
	_ =	shalt  }
.Lfunc_end2:
_tile_overlayer_lowered:
.L_overlay_start_2:
0x6f: {  	(tag) =	ssettag $0x2  }
0x70: {  	s0 =	rddreg [dreg:$0x0];
	s2 =	stileid.u32  }
0x71: {  	s1 =	rddreg [dreg:$0x1];
	p0 =	sne.s32 s2, $0x0  }
0x72: {  	s3 =	rddreg [dreg:$0x2];
	[bflag:$0x3] =	sbarrier.arrive $0xFFFF;
	s2 =	simm.s32 @!p0 $0x1C05  }
0x73: {  	[timem:s3], [sflag:s2] =	dma.local @!p0 [hbm:s0], s1  }
0x74: {  	s0 =	simm.s32 @!p0 $0x5  }
0x75: {  	_ =	swait.ge @!p0 [sflag:s0], s1  }
0x76: {  	s1 =	ssub.s32 @!p0 $0x0, s1;
	[sflag:s0] =	ssyncset.done @!p0 $0x0  }
0x77: {  	[sflag:s0] =	ssyncadd.s32 @!p0 s1  }
0x78: {  	[bflag:$0x3] =	sbarrier.arrive $0xFFFF  }
0x79: {  	_ =	shalt  }

</sc_bundles>
